<compile_context>
chip_gen: v7x
topology: tpu7x:2x2x1
jax: 0.10.2.dev20260603
libtpu: 0.0.44.dev20260713+nightly
codegen_flags: <defaults>
</compile_context>

<pallas_src>
import functools

import jax
import jax.numpy as jnp
from jax import lax
from jax.experimental import pallas as pl
from jax.experimental.pallas import tpu as pltpu
from jax.experimental.pallas import tpu_sc as plsc

B, R, H, W = 128, 34, 512, 512
NUM_CATS = 5
CHW = 2 * H * W
TOTAL = B * CHW

NROWS = 2 * R
IMG_ROWS = TOTAL // 128
IMG_COLS = 128
BLK_ROWS = 16384
GRID = IMG_ROWS // BLK_ROWS


def _prep_memset_kernel(xt_ref, dw_ref, db_ref, cw_ref, cb_ref,
                        img_ref, vals_ref, idx_ref):
  img_ref[...] = jnp.zeros((BLK_ROWS, IMG_COLS), jnp.float32)

  @pl.when(pl.program_id(0) == 0)
  def _prep():
    pw = xt_ref[0]
    cx = xt_ref[1]
    cy = xt_ref[2]
    cat = xt_ref[3].astype(jnp.int32)
    pind = (pw != 0.0).astype(jnp.float32)
    proc = pw * dw_ref[...] + pind * db_ref[...]
    cwv = jnp.zeros((R, B), jnp.float32)
    cbv = jnp.zeros((R, B), jnp.float32)
    for c in range(NUM_CATS):
      m = cat == c
      cwv = jnp.where(m, cw_ref[0, c], cwv)
      cbv = jnp.where(m, cb_ref[0, c], cbv)
    proc = proc * cwv + pind * cbv

    xi = jnp.round(cx).astype(jnp.int32)
    yi = jnp.round(cy).astype(jnp.int32)
    key = yi * W + xi
    bcol = lax.broadcasted_iota(jnp.int32, (R, B), 1)

    vproc, vraw = proc, pw
    for rp in range(R):
      m = key == key[rp:rp + 1]
      vproc = jnp.where(m, proc[rp:rp + 1], vproc)
      vraw = jnp.where(m, pw[rp:rp + 1], vraw)
    vals_ref[0] = vproc
    vals_ref[1] = vraw
    idx_ref[0] = bcol * CHW + key
    idx_ref[1] = bcol * CHW + H * W + key


def _sc_scatter(img_ref, vals_hbm, idx_hbm, vals_v, idx_v, sem):
  info = plsc.get_sparse_core_info()
  nc = info.num_cores
  wid = lax.axis_index("s") * nc + lax.axis_index("c")
  for j in range(3):
    row = wid + 32 * j

    @pl.when(row < NROWS)
    def _do():
      pltpu.sync_copy(idx_hbm.at[row], idx_v)
      pltpu.sync_copy(vals_hbm.at[row], vals_v)
      pltpu.async_copy(vals_v, img_ref.at[idx_v], sem).wait()


@functools.cache
def _sc_scatter_call():
  return pl.kernel(
      _sc_scatter,
      out_type=(),
      mesh=plsc.VectorSubcoreMesh(core_axis_name="c", subcore_axis_name="s"),
      scratch_types=[
          pltpu.VMEM((B,), jnp.float32),
          pltpu.VMEM((B,), jnp.int32),
          pltpu.SemaphoreType.DMA,
      ],
  )


@jax.jit
def kernel(x_vecs, device_weights, device_bias, category_weights,
           category_bias):
  xt = x_vecs.transpose(2, 1, 0)
  dwb = jnp.broadcast_to(device_weights[:, None], (R, B))
  dbb = jnp.broadcast_to(device_bias[:, None], (R, B))
  cw2 = category_weights.reshape(1, NUM_CATS)
  cb2 = category_bias.reshape(1, NUM_CATS)

  img2d, vals, idx = pl.pallas_call(
      _prep_memset_kernel,
      grid=(GRID,),
      in_specs=[
          pl.BlockSpec((4, R, B), lambda i: (0, 0, 0)),
          pl.BlockSpec((R, B), lambda i: (0, 0)),
          pl.BlockSpec((R, B), lambda i: (0, 0)),
          pl.BlockSpec((1, NUM_CATS), lambda i: (0, 0),
                       memory_space=pltpu.SMEM),
          pl.BlockSpec((1, NUM_CATS), lambda i: (0, 0),
                       memory_space=pltpu.SMEM),
      ],
      out_specs=[
          pl.BlockSpec((BLK_ROWS, IMG_COLS), lambda i: (i, 0)),
          pl.BlockSpec((2, R, B), lambda i: (0, 0, 0)),
          pl.BlockSpec((2, R, B), lambda i: (0, 0, 0)),
      ],
      out_shape=[
          jax.ShapeDtypeStruct((IMG_ROWS, IMG_COLS), jnp.float32),
          jax.ShapeDtypeStruct((2, R, B), jnp.float32),
          jax.ShapeDtypeStruct((2, R, B), jnp.int32),
      ],
  )(xt, dwb, dbb, cw2, cb2)

  img_ref = jax.new_ref(img2d.reshape(TOTAL))
  _sc_scatter_call()(img_ref, vals.reshape(NROWS, B), idx.reshape(NROWS, B))
  return img_ref[...].reshape(B, 2, H, W)

# --- scband reference (transcript-rebuilt; emitter-appended) ---
"""Pipeline reference for scband-vec2-im-26096221291019 (READ-ONLY COPY).

The authoritative reference and input builder live on the scoring server;
editing this copy changes nothing except your own understanding.
"""

import jax, jax.numpy as jnp
import numpy as np

B, R, H, W = 128, 34, 512, 512
NUM_CATS = 5  # num_rx_categories + 1

def setup_inputs(seed: int = 0) -> dict:
    key = jax.random.key(seed)
    k1, k2, k3, k4, k5, k6, k7 = jax.random.split(key, 7)
    # channel 0: RSS power (nonzero), channels 1:3: integer-valued pixel coords (x, y), channel 3: category id
    powers = jax.random.normal(k1, (B, R), dtype=jnp.float32) * 10.0 - 50.0
    cx = jax.random.randint(k2, (B, R), 0, W).astype(jnp.float32)
    cy = jax.random.randint(k3, (B, R), 0, H).astype(jnp.float32)
    cats = jax.random.randint(k4, (B, R), 0, NUM_CATS).astype(jnp.float32)
    x_vecs = jnp.stack([powers, cx, cy, cats], axis=-1)
    # learned parameters sized per init_kwargs (max_num_rx=34, num_rx_categories=4)
    device_weights = jnp.ones((R,), jnp.float32) + 0.01 * jax.random.normal(k5, (R,), dtype=jnp.float32)
    device_bias = 0.01 * jax.random.normal(k6, (R,), dtype=jnp.float32)
    category_weights = jnp.ones((NUM_CATS,), jnp.float32)
    category_bias = 0.01 * jax.random.normal(k7, (NUM_CATS,), dtype=jnp.float32)
    return {"x_vecs": x_vecs, "device_weights": device_weights, "device_bias": device_bias,
            "category_weights": category_weights, "category_bias": category_bias}

def reference(x_vecs, device_weights, device_bias, category_weights, category_bias):
    batch_size = x_vecs.shape[0]
    # eval mode: sensor_dropout / rss_noise / power_scaling disabled; elevation_map None -> 2 channels
    all_powers = x_vecs[:, :, 0]
    power_inds = (all_powers != 0).astype(jnp.float32)
    # device_multiplication
    all_dbias = power_inds * device_bias
    all_powers = all_powers * device_weights + all_dbias
    # category_multiplication
    all_device_categories = x_vecs[:, :, -1].astype(jnp.int32)
    all_cweights = jnp.take(category_weights, all_device_categories)
    all_cbias = power_inds * jnp.take(category_bias, all_device_categories)
    all_powers = all_powers * all_cweights + all_cbias
    # scatter into image: channel 0 = processed powers, channel 1 = raw powers
    coords = jnp.round(x_vecs[:, :, 1:3]).astype(jnp.int32)
    b_idx = jnp.repeat(jnp.arange(batch_size), R)
    xs = coords[:, :, 0].reshape(-1)
    ys = coords[:, :, 1].reshape(-1)
    x_img = jnp.zeros((batch_size, 2, H, W), dtype=jnp.float32)
    x_img = x_img.at[b_idx, 0, ys, xs].set(all_powers.reshape(-1))
    x_img = x_img.at[b_idx, 1, ys, xs].set(x_vecs[:, :, 0].reshape(-1))
    return x_img

if __name__ == "__main__":
    import jax
    _d = setup_inputs()
    print(jax.jit(kernel)(*tuple(_d.values())))

</pallas_src>

<mosaic_0001>
#map = affine_map<(d0, d1) -> (0)>
#map1 = affine_map<(d0, d1) -> (0, 0)>
module attributes {stable_mosaic.version = 14 : i64} {
  func.func @new_body(%arg0: i32, %arg1: i32, %arg2: memref<67108864xf32, #tpu.memory_space<hbm>>, %arg3: memref<68x128xf32, #tpu.memory_space<hbm>>, %arg4: memref<68x128xi32, #tpu.memory_space<hbm>>, %arg5: memref<67108864xf32, #tpu.memory_space<hbm>>, %arg6: memref<128xf32, #tpu.memory_space<vmem>>, %arg7: memref<128xi32, #tpu.memory_space<vmem>>, %arg8: memref<!tpu.dma_semaphore, #tpu.memory_space<semaphore_mem>>) attributes {dimension_semantics = [#tpu.dimension_semantics<core_parallel>, #tpu.dimension_semantics<subcore_parallel>], iteration_bounds = array<i64: 2, 16>, scalar_prefetch = 0 : i64, scratch_operands = 3 : i64, tpu.core_type = #tpu.core_type<sc_vector_subcore>, window_params = [{transform_indices = #map}, {transform_indices = #map1}, {transform_indices = #map1}, {transform_indices = #map}]} {
    %mul3A = arith.constant 2 : i32
    %mul3A_0 = arith.muli %arg1, %mul3A : i32
    %add3A = arith.addi %mul3A_0, %arg0 : i32
    %add3A_1 = arith.constant 0 : i32
    %add3A_2 = arith.addi %add3A, %add3A_1 : i32
    %lt3A = arith.constant 68 : i32
    %lt3A_3 = arith.cmpi slt, %add3A_2, %lt3A : i32
    %convert_element_type3A = arith.extui %lt3A_3 : i1 to i32
    %cond3A = arith.constant 0 : i32
    %cond3A_4 = arith.cmpi ne, %convert_element_type3A, %cond3A : i32
    scf.if %cond3A_4 {
      "tpu.region"() ({
        %run_scoped3A = tpu.sem_alloc : memref<!tpu.dma_semaphore, #tpu.memory_space<semaphore_mem>>
        %dma_start3A_21 = arith.constant 0 : i32
        %dma_start3A_22 = tpu.memref_slice %arg4[%add3A_2, %dma_start3A_21] : memref<68x128xi32, #tpu.memory_space<hbm>> -> memref<1x128xi32, #tpu.memory_space<hbm>>
        %dma_start3A_23 = tpu.memref_squeeze %dma_start3A_22 : memref<1x128xi32, #tpu.memory_space<hbm>> -> memref<128xi32, #tpu.memory_space<hbm>>
        %dma_start3A_24 = arith.constant 0 : i32
        %dma_start3A_25 = tpu.memref_slice %arg4[%add3A_2, %dma_start3A_24] : memref<68x128xi32, #tpu.memory_space<hbm>> -> memref<1x128xi32, #tpu.memory_space<hbm>>
        %dma_start3A_26 = tpu.memref_squeeze %dma_start3A_25 : memref<1x128xi32, #tpu.memory_space<hbm>> -> memref<128xi32, #tpu.memory_space<hbm>>
        tpu.enqueue_dma source(%dma_start3A_26 : memref<128xi32, #tpu.memory_space<hbm>>) target(%arg7 : memref<128xi32, #tpu.memory_space<vmem>>) target_semaphore(%run_scoped3A : memref<!tpu.dma_semaphore, #tpu.memory_space<semaphore_mem>>)
        %dma_wait3A_27 = arith.constant 0 : i32
        %dma_wait3A_28 = tpu.memref_slice %arg4[%add3A_2, %dma_wait3A_27] : memref<68x128xi32, #tpu.memory_space<hbm>> -> memref<1x128xi32, #tpu.memory_space<hbm>>
        %dma_wait3A_29 = tpu.memref_squeeze %dma_wait3A_28 : memref<1x128xi32, #tpu.memory_space<hbm>> -> memref<128xi32, #tpu.memory_space<hbm>>
        %dma_wait3A_30 = arith.constant 0 : i32
        %dma_wait3A_31 = tpu.memref_slice %arg4[%add3A_2, %dma_wait3A_30] : memref<68x128xi32, #tpu.memory_space<hbm>> -> memref<1x128xi32, #tpu.memory_space<hbm>>
        %dma_wait3A_32 = tpu.memref_squeeze %dma_wait3A_31 : memref<1x128xi32, #tpu.memory_space<hbm>> -> memref<128xi32, #tpu.memory_space<hbm>>
        tpu.wait_dma2 semaphore(%run_scoped3A : memref<!tpu.dma_semaphore, #tpu.memory_space<semaphore_mem>>) src(%dma_wait3A_32 : memref<128xi32, #tpu.memory_space<hbm>>) dst(%arg7 : memref<128xi32, #tpu.memory_space<vmem>>)
        tpu.yield
      }) : () -> ()
      "tpu.region"() ({
        %run_scoped3A = tpu.sem_alloc : memref<!tpu.dma_semaphore, #tpu.memory_space<semaphore_mem>>
        %dma_start3A_21 = arith.constant 0 : i32
        %dma_start3A_22 = tpu.memref_slice %arg3[%add3A_2, %dma_start3A_21] : memref<68x128xf32, #tpu.memory_space<hbm>> -> memref<1x128xf32, #tpu.memory_space<hbm>>
        %dma_start3A_23 = tpu.memref_squeeze %dma_start3A_22 : memref<1x128xf32, #tpu.memory_space<hbm>> -> memref<128xf32, #tpu.memory_space<hbm>>
        %dma_start3A_24 = arith.constant 0 : i32
        %dma_start3A_25 = tpu.memref_slice %arg3[%add3A_2, %dma_start3A_24] : memref<68x128xf32, #tpu.memory_space<hbm>> -> memref<1x128xf32, #tpu.memory_space<hbm>>
        %dma_start3A_26 = tpu.memref_squeeze %dma_start3A_25 : memref<1x128xf32, #tpu.memory_space<hbm>> -> memref<128xf32, #tpu.memory_space<hbm>>
        tpu.enqueue_dma source(%dma_start3A_26 : memref<128xf32, #tpu.memory_space<hbm>>) target(%arg6 : memref<128xf32, #tpu.memory_space<vmem>>) target_semaphore(%run_scoped3A : memref<!tpu.dma_semaphore, #tpu.memory_space<semaphore_mem>>)
        %dma_wait3A_27 = arith.constant 0 : i32
        %dma_wait3A_28 = tpu.memref_slice %arg3[%add3A_2, %dma_wait3A_27] : memref<68x128xf32, #tpu.memory_space<hbm>> -> memref<1x128xf32, #tpu.memory_space<hbm>>
        %dma_wait3A_29 = tpu.memref_squeeze %dma_wait3A_28 : memref<1x128xf32, #tpu.memory_space<hbm>> -> memref<128xf32, #tpu.memory_space<hbm>>
        %dma_wait3A_30 = arith.constant 0 : i32
        %dma_wait3A_31 = tpu.memref_slice %arg3[%add3A_2, %dma_wait3A_30] : memref<68x128xf32, #tpu.memory_space<hbm>> -> memref<1x128xf32, #tpu.memory_space<hbm>>
        %dma_wait3A_32 = tpu.memref_squeeze %dma_wait3A_31 : memref<1x128xf32, #tpu.memory_space<hbm>> -> memref<128xf32, #tpu.memory_space<hbm>>
        tpu.wait_dma2 semaphore(%run_scoped3A : memref<!tpu.dma_semaphore, #tpu.memory_space<semaphore_mem>>) src(%dma_wait3A_32 : memref<128xf32, #tpu.memory_space<hbm>>) dst(%arg6 : memref<128xf32, #tpu.memory_space<vmem>>)
        tpu.yield
      }) : () -> ()
      %dma_start3A = arith.constant 0 : i32
      %dma_start3A_19 = tpu.memref_slice %arg2[%dma_start3A] : memref<67108864xf32, #tpu.memory_space<hbm>> -> memref<67108864xf32, #tpu.memory_space<hbm>>
      tpu.enqueue_indirect_dma source(%arg6 : memref<128xf32, #tpu.memory_space<vmem>>) target(%dma_start3A_19 : memref<67108864xf32, #tpu.memory_space<hbm>>) offsets(%arg7 : memref<128xi32, #tpu.memory_space<vmem>>) semaphore(%arg8 : memref<!tpu.dma_semaphore, #tpu.memory_space<semaphore_mem>>)
      %dma_wait3A = arith.constant 0 : i32
      %dma_wait3A_20 = tpu.memref_slice %arg2[%dma_wait3A] : memref<67108864xf32, #tpu.memory_space<hbm>> -> memref<67108864xf32, #tpu.memory_space<hbm>>
      tpu.wait_indirect_dma semaphore(%arg8 : memref<!tpu.dma_semaphore, #tpu.memory_space<semaphore_mem>>) src(%arg6 : memref<128xf32, #tpu.memory_space<vmem>>) dst(%dma_wait3A_20 : memref<67108864xf32, #tpu.memory_space<hbm>>)
    } else {
    }
    %add3A_5 = arith.constant 32 : i32
    %add3A_6 = arith.addi %add3A, %add3A_5 : i32
    %lt3A_7 = arith.constant 68 : i32
    %lt3A_8 = arith.cmpi slt, %add3A_6, %lt3A_7 : i32
    %convert_element_type3A_9 = arith.extui %lt3A_8 : i1 to i32
    %cond3A_10 = arith.constant 0 : i32
    %cond3A_11 = arith.cmpi ne, %convert_element_type3A_9, %cond3A_10 : i32
    scf.if %cond3A_11 {
      "tpu.region"() ({
        %run_scoped3A = tpu.sem_alloc : memref<!tpu.dma_semaphore, #tpu.memory_space<semaphore_mem>>
        %dma_start3A_21 = arith.constant 0 : i32
        %dma_start3A_22 = tpu.memref_slice %arg4[%add3A_6, %dma_start3A_21] : memref<68x128xi32, #tpu.memory_space<hbm>> -> memref<1x128xi32, #tpu.memory_space<hbm>>
        %dma_start3A_23 = tpu.memref_squeeze %dma_start3A_22 : memref<1x128xi32, #tpu.memory_space<hbm>> -> memref<128xi32, #tpu.memory_space<hbm>>
        %dma_start3A_24 = arith.constant 0 : i32
        %dma_start3A_25 = tpu.memref_slice %arg4[%add3A_6, %dma_start3A_24] : memref<68x128xi32, #tpu.memory_space<hbm>> -> memref<1x128xi32, #tpu.memory_space<hbm>>
        %dma_start3A_26 = tpu.memref_squeeze %dma_start3A_25 : memref<1x128xi32, #tpu.memory_space<hbm>> -> memref<128xi32, #tpu.memory_space<hbm>>
        tpu.enqueue_dma source(%dma_start3A_26 : memref<128xi32, #tpu.memory_space<hbm>>) target(%arg7 : memref<128xi32, #tpu.memory_space<vmem>>) target_semaphore(%run_scoped3A : memref<!tpu.dma_semaphore, #tpu.memory_space<semaphore_mem>>)
        %dma_wait3A_27 = arith.constant 0 : i32
        %dma_wait3A_28 = tpu.memref_slice %arg4[%add3A_6, %dma_wait3A_27] : memref<68x128xi32, #tpu.memory_space<hbm>> -> memref<1x128xi32, #tpu.memory_space<hbm>>
        %dma_wait3A_29 = tpu.memref_squeeze %dma_wait3A_28 : memref<1x128xi32, #tpu.memory_space<hbm>> -> memref<128xi32, #tpu.memory_space<hbm>>
        %dma_wait3A_30 = arith.constant 0 : i32
        %dma_wait3A_31 = tpu.memref_slice %arg4[%add3A_6, %dma_wait3A_30] : memref<68x128xi32, #tpu.memory_space<hbm>> -> memref<1x128xi32, #tpu.memory_space<hbm>>
        %dma_wait3A_32 = tpu.memref_squeeze %dma_wait3A_31 : memref<1x128xi32, #tpu.memory_space<hbm>> -> memref<128xi32, #tpu.memory_space<hbm>>
        tpu.wait_dma2 semaphore(%run_scoped3A : memref<!tpu.dma_semaphore, #tpu.memory_space<semaphore_mem>>) src(%dma_wait3A_32 : memref<128xi32, #tpu.memory_space<hbm>>) dst(%arg7 : memref<128xi32, #tpu.memory_space<vmem>>)
        tpu.yield
      }) : () -> ()
      "tpu.region"() ({
        %run_scoped3A = tpu.sem_alloc : memref<!tpu.dma_semaphore, #tpu.memory_space<semaphore_mem>>
        %dma_start3A_21 = arith.constant 0 : i32
        %dma_start3A_22 = tpu.memref_slice %arg3[%add3A_6, %dma_start3A_21] : memref<68x128xf32, #tpu.memory_space<hbm>> -> memref<1x128xf32, #tpu.memory_space<hbm>>
        %dma_start3A_23 = tpu.memref_squeeze %dma_start3A_22 : memref<1x128xf32, #tpu.memory_space<hbm>> -> memref<128xf32, #tpu.memory_space<hbm>>
        %dma_start3A_24 = arith.constant 0 : i32
        %dma_start3A_25 = tpu.memref_slice %arg3[%add3A_6, %dma_start3A_24] : memref<68x128xf32, #tpu.memory_space<hbm>> -> memref<1x128xf32, #tpu.memory_space<hbm>>
        %dma_start3A_26 = tpu.memref_squeeze %dma_start3A_25 : memref<1x128xf32, #tpu.memory_space<hbm>> -> memref<128xf32, #tpu.memory_space<hbm>>
        tpu.enqueue_dma source(%dma_start3A_26 : memref<128xf32, #tpu.memory_space<hbm>>) target(%arg6 : memref<128xf32, #tpu.memory_space<vmem>>) target_semaphore(%run_scoped3A : memref<!tpu.dma_semaphore, #tpu.memory_space<semaphore_mem>>)
        %dma_wait3A_27 = arith.constant 0 : i32
        %dma_wait3A_28 = tpu.memref_slice %arg3[%add3A_6, %dma_wait3A_27] : memref<68x128xf32, #tpu.memory_space<hbm>> -> memref<1x128xf32, #tpu.memory_space<hbm>>
        %dma_wait3A_29 = tpu.memref_squeeze %dma_wait3A_28 : memref<1x128xf32, #tpu.memory_space<hbm>> -> memref<128xf32, #tpu.memory_space<hbm>>
        %dma_wait3A_30 = arith.constant 0 : i32
        %dma_wait3A_31 = tpu.memref_slice %arg3[%add3A_6, %dma_wait3A_30] : memref<68x128xf32, #tpu.memory_space<hbm>> -> memref<1x128xf32, #tpu.memory_space<hbm>>
        %dma_wait3A_32 = tpu.memref_squeeze %dma_wait3A_31 : memref<1x128xf32, #tpu.memory_space<hbm>> -> memref<128xf32, #tpu.memory_space<hbm>>
        tpu.wait_dma2 semaphore(%run_scoped3A : memref<!tpu.dma_semaphore, #tpu.memory_space<semaphore_mem>>) src(%dma_wait3A_32 : memref<128xf32, #tpu.memory_space<hbm>>) dst(%arg6 : memref<128xf32, #tpu.memory_space<vmem>>)
        tpu.yield
      }) : () -> ()
      %dma_start3A = arith.constant 0 : i32
      %dma_start3A_19 = tpu.memref_slice %arg2[%dma_start3A] : memref<67108864xf32, #tpu.memory_space<hbm>> -> memref<67108864xf32, #tpu.memory_space<hbm>>
      tpu.enqueue_indirect_dma source(%arg6 : memref<128xf32, #tpu.memory_space<vmem>>) target(%dma_start3A_19 : memref<67108864xf32, #tpu.memory_space<hbm>>) offsets(%arg7 : memref<128xi32, #tpu.memory_space<vmem>>) semaphore(%arg8 : memref<!tpu.dma_semaphore, #tpu.memory_space<semaphore_mem>>)
      %dma_wait3A = arith.constant 0 : i32
      %dma_wait3A_20 = tpu.memref_slice %arg2[%dma_wait3A] : memref<67108864xf32, #tpu.memory_space<hbm>> -> memref<67108864xf32, #tpu.memory_space<hbm>>
      tpu.wait_indirect_dma semaphore(%arg8 : memref<!tpu.dma_semaphore, #tpu.memory_space<semaphore_mem>>) src(%arg6 : memref<128xf32, #tpu.memory_space<vmem>>) dst(%dma_wait3A_20 : memref<67108864xf32, #tpu.memory_space<hbm>>)
    } else {
    }
    %add3A_12 = arith.constant 64 : i32
    %add3A_13 = arith.addi %add3A, %add3A_12 : i32
    %lt3A_14 = arith.constant 68 : i32
    %lt3A_15 = arith.cmpi slt, %add3A_13, %lt3A_14 : i32
    %convert_element_type3A_16 = arith.extui %lt3A_15 : i1 to i32
    %cond3A_17 = arith.constant 0 : i32
    %cond3A_18 = arith.cmpi ne, %convert_element_type3A_16, %cond3A_17 : i32
    scf.if %cond3A_18 {
      "tpu.region"() ({
        %run_scoped3A = tpu.sem_alloc : memref<!tpu.dma_semaphore, #tpu.memory_space<semaphore_mem>>
        %dma_start3A_21 = arith.constant 0 : i32
        %dma_start3A_22 = tpu.memref_slice %arg4[%add3A_13, %dma_start3A_21] : memref<68x128xi32, #tpu.memory_space<hbm>> -> memref<1x128xi32, #tpu.memory_space<hbm>>
        %dma_start3A_23 = tpu.memref_squeeze %dma_start3A_22 : memref<1x128xi32, #tpu.memory_space<hbm>> -> memref<128xi32, #tpu.memory_space<hbm>>
        %dma_start3A_24 = arith.constant 0 : i32
        %dma_start3A_25 = tpu.memref_slice %arg4[%add3A_13, %dma_start3A_24] : memref<68x128xi32, #tpu.memory_space<hbm>> -> memref<1x128xi32, #tpu.memory_space<hbm>>
        %dma_start3A_26 = tpu.memref_squeeze %dma_start3A_25 : memref<1x128xi32, #tpu.memory_space<hbm>> -> memref<128xi32, #tpu.memory_space<hbm>>
        tpu.enqueue_dma source(%dma_start3A_26 : memref<128xi32, #tpu.memory_space<hbm>>) target(%arg7 : memref<128xi32, #tpu.memory_space<vmem>>) target_semaphore(%run_scoped3A : memref<!tpu.dma_semaphore, #tpu.memory_space<semaphore_mem>>)
        %dma_wait3A_27 = arith.constant 0 : i32
        %dma_wait3A_28 = tpu.memref_slice %arg4[%add3A_13, %dma_wait3A_27] : memref<68x128xi32, #tpu.memory_space<hbm>> -> memref<1x128xi32, #tpu.memory_space<hbm>>
        %dma_wait3A_29 = tpu.memref_squeeze %dma_wait3A_28 : memref<1x128xi32, #tpu.memory_space<hbm>> -> memref<128xi32, #tpu.memory_space<hbm>>
        %dma_wait3A_30 = arith.constant 0 : i32
        %dma_wait3A_31 = tpu.memref_slice %arg4[%add3A_13, %dma_wait3A_30] : memref<68x128xi32, #tpu.memory_space<hbm>> -> memref<1x128xi32, #tpu.memory_space<hbm>>
        %dma_wait3A_32 = tpu.memref_squeeze %dma_wait3A_31 : memref<1x128xi32, #tpu.memory_space<hbm>> -> memref<128xi32, #tpu.memory_space<hbm>>
        tpu.wait_dma2 semaphore(%run_scoped3A : memref<!tpu.dma_semaphore, #tpu.memory_space<semaphore_mem>>) src(%dma_wait3A_32 : memref<128xi32, #tpu.memory_space<hbm>>) dst(%arg7 : memref<128xi32, #tpu.memory_space<vmem>>)
        tpu.yield
      }) : () -> ()
      "tpu.region"() ({
        %run_scoped3A = tpu.sem_alloc : memref<!tpu.dma_semaphore, #tpu.memory_space<semaphore_mem>>
        %dma_start3A_21 = arith.constant 0 : i32
        %dma_start3A_22 = tpu.memref_slice %arg3[%add3A_13, %dma_start3A_21] : memref<68x128xf32, #tpu.memory_space<hbm>> -> memref<1x128xf32, #tpu.memory_space<hbm>>
        %dma_start3A_23 = tpu.memref_squeeze %dma_start3A_22 : memref<1x128xf32, #tpu.memory_space<hbm>> -> memref<128xf32, #tpu.memory_space<hbm>>
        %dma_start3A_24 = arith.constant 0 : i32
        %dma_start3A_25 = tpu.memref_slice %arg3[%add3A_13, %dma_start3A_24] : memref<68x128xf32, #tpu.memory_space<hbm>> -> memref<1x128xf32, #tpu.memory_space<hbm>>
        %dma_start3A_26 = tpu.memref_squeeze %dma_start3A_25 : memref<1x128xf32, #tpu.memory_space<hbm>> -> memref<128xf32, #tpu.memory_space<hbm>>
        tpu.enqueue_dma source(%dma_start3A_26 : memref<128xf32, #tpu.memory_space<hbm>>) target(%arg6 : memref<128xf32, #tpu.memory_space<vmem>>) target_semaphore(%run_scoped3A : memref<!tpu.dma_semaphore, #tpu.memory_space<semaphore_mem>>)
        %dma_wait3A_27 = arith.constant 0 : i32
        %dma_wait3A_28 = tpu.memref_slice %arg3[%add3A_13, %dma_wait3A_27] : memref<68x128xf32, #tpu.memory_space<hbm>> -> memref<1x128xf32, #tpu.memory_space<hbm>>
        %dma_wait3A_29 = tpu.memref_squeeze %dma_wait3A_28 : memref<1x128xf32, #tpu.memory_space<hbm>> -> memref<128xf32, #tpu.memory_space<hbm>>
        %dma_wait3A_30 = arith.constant 0 : i32
        %dma_wait3A_31 = tpu.memref_slice %arg3[%add3A_13, %dma_wait3A_30] : memref<68x128xf32, #tpu.memory_space<hbm>> -> memref<1x128xf32, #tpu.memory_space<hbm>>
        %dma_wait3A_32 = tpu.memref_squeeze %dma_wait3A_31 : memref<1x128xf32, #tpu.memory_space<hbm>> -> memref<128xf32, #tpu.memory_space<hbm>>
        tpu.wait_dma2 semaphore(%run_scoped3A : memref<!tpu.dma_semaphore, #tpu.memory_space<semaphore_mem>>) src(%dma_wait3A_32 : memref<128xf32, #tpu.memory_space<hbm>>) dst(%arg6 : memref<128xf32, #tpu.memory_space<vmem>>)
        tpu.yield
      }) : () -> ()
      %dma_start3A = arith.constant 0 : i32
      %dma_start3A_19 = tpu.memref_slice %arg2[%dma_start3A] : memref<67108864xf32, #tpu.memory_space<hbm>> -> memref<67108864xf32, #tpu.memory_space<hbm>>
      tpu.enqueue_indirect_dma source(%arg6 : memref<128xf32, #tpu.memory_space<vmem>>) target(%dma_start3A_19 : memref<67108864xf32, #tpu.memory_space<hbm>>) offsets(%arg7 : memref<128xi32, #tpu.memory_space<vmem>>) semaphore(%arg8 : memref<!tpu.dma_semaphore, #tpu.memory_space<semaphore_mem>>)
      %dma_wait3A = arith.constant 0 : i32
      %dma_wait3A_20 = tpu.memref_slice %arg2[%dma_wait3A] : memref<67108864xf32, #tpu.memory_space<hbm>> -> memref<67108864xf32, #tpu.memory_space<hbm>>
      tpu.wait_indirect_dma semaphore(%arg8 : memref<!tpu.dma_semaphore, #tpu.memory_space<semaphore_mem>>) src(%arg6 : memref<128xf32, #tpu.memory_space<vmem>>) dst(%dma_wait3A_20 : memref<67108864xf32, #tpu.memory_space<hbm>>)
    } else {
    }
    return
  }
}

module attributes {stable_mosaic.version = 14 : i64} {
  func.func @_prep_memset_kernel(%arg0: i32, %arg1: memref<4x34x128xf32, #tpu.memory_space<vmem>>, %arg2: memref<34x128xf32, #tpu.memory_space<vmem>>, %arg3: memref<34x128xf32, #tpu.memory_space<vmem>>, %arg4: memref<1x5xf32, #tpu.memory_space<smem>>, %arg5: memref<1x5xf32, #tpu.memory_space<smem>>, %arg6: memref<16384x128xf32, #tpu.memory_space<vmem>>, %arg7: memref<2x34x128xf32, #tpu.memory_space<vmem>>, %arg8: memref<2x34x128xi32, #tpu.memory_space<vmem>>) attributes {dimension_semantics = [#tpu.dimension_semantics<arbitrary>], iteration_bounds = array<i64: 32>, scalar_prefetch = 0 : i64, scratch_operands = 0 : i64, tpu.core_type = #tpu.core_type<tc>, window_params = [{pipeline_mode = #tpu.pipeline_mode<synchronous>, transform_indices = @transform_0, window_bounds = array<i64: 4, 34, 128>}, {pipeline_mode = #tpu.pipeline_mode<synchronous>, transform_indices = @transform_1, window_bounds = array<i64: 34, 128>}, {pipeline_mode = #tpu.pipeline_mode<synchronous>, transform_indices = @transform_2, window_bounds = array<i64: 34, 128>}, {transform_indices = @transform_3, window_bounds = array<i64: 1, 5>}, {transform_indices = @transform_4, window_bounds = array<i64: 1, 5>}, {transform_indices = @transform_5, window_bounds = array<i64: 16384, 128>}, {pipeline_mode = #tpu.pipeline_mode<synchronous>, transform_indices = @transform_6, window_bounds = array<i64: 2, 34, 128>}, {pipeline_mode = #tpu.pipeline_mode<synchronous>, transform_indices = @transform_7, window_bounds = array<i64: 2, 34, 128>}]} {
    %broadcast_in_dim3A = arith.constant 0.000000e+00 : f32
    %broadcast_in_dim3A_0 = vector.broadcast %broadcast_in_dim3A : f32 to vector<16384x128xf32>
    %swap3A = arith.constant 0 : index
    %swap3A_1 = arith.constant 0 : index
    %swap3A_2 = vector.load %arg6[%swap3A, %swap3A_1] : memref<16384x128xf32, #tpu.memory_space<vmem>>, vector<16384x128xf32>
    tpu.vector_store %arg6[%swap3A, %swap3A_1], %broadcast_in_dim3A_0 {strides = array<i32>} : memref<16384x128xf32, #tpu.memory_space<vmem>>, vector<16384x128xf32>,
    %eq3A = arith.constant 0 : i32
    %eq3A_3 = arith.cmpi eq, %arg0, %eq3A : i32
    %convert_element_type3A = arith.extui %eq3A_3 : i1 to i32
    %cond3A = arith.constant 0 : i32
    %cond3A_4 = arith.cmpi ne, %convert_element_type3A, %cond3A : i32
    scf.if %cond3A_4 {
      %get3A = arith.constant 0 : index
      %get3A_5 = arith.constant 0 : index
      %get3A_6 = arith.constant 0 : index
      %get3A_7 = vector.load %arg1[%get3A, %get3A_5, %get3A_6] : memref<4x34x128xf32, #tpu.memory_space<vmem>>, vector<1x34x128xf32>
      %get3A_8 = vector.shape_cast %get3A_7 : vector<1x34x128xf32> to vector<34x128xf32>
      %get3A_9 = arith.constant 1 : index
      %get3A_10 = arith.constant 0 : index
      %get3A_11 = arith.constant 0 : index
      %get3A_12 = vector.load %arg1[%get3A_9, %get3A_10, %get3A_11] : memref<4x34x128xf32, #tpu.memory_space<vmem>>, vector<1x34x128xf32>
      %get3A_13 = vector.shape_cast %get3A_12 : vector<1x34x128xf32> to vector<34x128xf32>
      %get3A_14 = arith.constant 2 : index
      %get3A_15 = arith.constant 0 : index
      %get3A_16 = arith.constant 0 : index
      %get3A_17 = vector.load %arg1[%get3A_14, %get3A_15, %get3A_16] : memref<4x34x128xf32, #tpu.memory_space<vmem>>, vector<1x34x128xf32>
      %get3A_18 = vector.shape_cast %get3A_17 : vector<1x34x128xf32> to vector<34x128xf32>
      %get3A_19 = arith.constant 3 : index
      %get3A_20 = arith.constant 0 : index
      %get3A_21 = arith.constant 0 : index
      %get3A_22 = vector.load %arg1[%get3A_19, %get3A_20, %get3A_21] : memref<4x34x128xf32, #tpu.memory_space<vmem>>, vector<1x34x128xf32>
      %get3A_23 = vector.shape_cast %get3A_22 : vector<1x34x128xf32> to vector<34x128xf32>
      %convert_element_type3A_24 = arith.fptosi %get3A_23 : vector<34x128xf32> to vector<34x128xi32>
      %ne3A = arith.constant 0.000000e+00 : f32
      %ne3A_25 = vector.broadcast %ne3A : f32 to vector<34x128xf32>
      %ne3A_26 = arith.cmpf one, %get3A_8, %ne3A_25 : vector<34x128xf32>
      %convert_element_type3A_27 = arith.extui %ne3A_26 : vector<34x128xi1> to vector<34x128xi32>
      %convert_element_type3A_28 = arith.sitofp %convert_element_type3A_27 : vector<34x128xi32> to vector<34x128xf32>
      %get3A_29 = arith.constant 0 : index
      %get3A_30 = arith.constant 0 : index
      %get3A_31 = vector.load %arg2[%get3A_29, %get3A_30] : memref<34x128xf32, #tpu.memory_space<vmem>>, vector<34x128xf32>
      %mul3A = arith.mulf %get3A_8, %get3A_31 : vector<34x128xf32>
      %get3A_32 = arith.constant 0 : index
      %get3A_33 = arith.constant 0 : index
      %get3A_34 = vector.load %arg3[%get3A_32, %get3A_33] : memref<34x128xf32, #tpu.memory_space<vmem>>, vector<34x128xf32>
      %mul3A_35 = arith.mulf %convert_element_type3A_28, %get3A_34 : vector<34x128xf32>
      %add3A = arith.addf %mul3A, %mul3A_35 : vector<34x128xf32>
      %broadcast_in_dim3A_36 = arith.constant 0.000000e+00 : f32
      %broadcast_in_dim3A_37 = vector.broadcast %broadcast_in_dim3A_36 : f32 to vector<34x128xf32>
      %broadcast_in_dim3A_38 = arith.constant 0.000000e+00 : f32
      %broadcast_in_dim3A_39 = vector.broadcast %broadcast_in_dim3A_38 : f32 to vector<34x128xf32>
      %eq3A_40 = arith.constant 0 : i32
      %eq3A_41 = vector.broadcast %eq3A_40 : i32 to vector<34x128xi32>
      %eq3A_42 = arith.cmpi eq, %convert_element_type3A_24, %eq3A_41 : vector<34x128xi32>
      %get3A_43 = arith.constant 0 : index
      %get3A_44 = arith.constant 0 : index
      %get3A_45 = memref.load %arg4[%get3A_43, %get3A_44] : memref<1x5xf32, #tpu.memory_space<smem>>
      %broadcast_in_dim3A_46 = vector.broadcast %get3A_45 : f32 to vector<34x128xf32>
      %select_n3A = arith.select %eq3A_42, %broadcast_in_dim3A_46, %broadcast_in_dim3A_37 : vector<34x128xi1>, vector<34x128xf32>
      %get3A_47 = arith.constant 0 : index
      %get3A_48 = arith.constant 0 : index
      %get3A_49 = memref.load %arg5[%get3A_47, %get3A_48] : memref<1x5xf32, #tpu.memory_space<smem>>
      %broadcast_in_dim3A_50 = vector.broadcast %get3A_49 : f32 to vector<34x128xf32>
      %select_n3A_51 = arith.select %eq3A_42, %broadcast_in_dim3A_50, %broadcast_in_dim3A_39 : vector<34x128xi1>, vector<34x128xf32>
      %eq3A_52 = arith.constant 1 : i32
      %eq3A_53 = vector.broadcast %eq3A_52 : i32 to vector<34x128xi32>
      %eq3A_54 = arith.cmpi eq, %convert_element_type3A_24, %eq3A_53 : vector<34x128xi32>
      %get3A_55 = arith.constant 0 : index
      %get3A_56 = arith.constant 1 : index
      %get3A_57 = memref.load %arg4[%get3A_55, %get3A_56] : memref<1x5xf32, #tpu.memory_space<smem>>
      %broadcast_in_dim3A_58 = vector.broadcast %get3A_57 : f32 to vector<34x128xf32>
      %select_n3A_59 = arith.select %eq3A_54, %broadcast_in_dim3A_58, %select_n3A : vector<34x128xi1>, vector<34x128xf32>
      %get3A_60 = arith.constant 0 : index
      %get3A_61 = arith.constant 1 : index
      %get3A_62 = memref.load %arg5[%get3A_60, %get3A_61] : memref<1x5xf32, #tpu.memory_space<smem>>
      %broadcast_in_dim3A_63 = vector.broadcast %get3A_62 : f32 to vector<34x128xf32>
      %select_n3A_64 = arith.select %eq3A_54, %broadcast_in_dim3A_63, %select_n3A_51 : vector<34x128xi1>, vector<34x128xf32>
      %eq3A_65 = arith.constant 2 : i32
      %eq3A_66 = vector.broadcast %eq3A_65 : i32 to vector<34x128xi32>
      %eq3A_67 = arith.cmpi eq, %convert_element_type3A_24, %eq3A_66 : vector<34x128xi32>
      %get3A_68 = arith.constant 0 : index
      %get3A_69 = arith.constant 2 : index
      %get3A_70 = memref.load %arg4[%get3A_68, %get3A_69] : memref<1x5xf32, #tpu.memory_space<smem>>
      %broadcast_in_dim3A_71 = vector.broadcast %get3A_70 : f32 to vector<34x128xf32>
      %select_n3A_72 = arith.select %eq3A_67, %broadcast_in_dim3A_71, %select_n3A_59 : vector<34x128xi1>, vector<34x128xf32>
      %get3A_73 = arith.constant 0 : index
      %get3A_74 = arith.constant 2 : index
      %get3A_75 = memref.load %arg5[%get3A_73, %get3A_74] : memref<1x5xf32, #tpu.memory_space<smem>>
      %broadcast_in_dim3A_76 = vector.broadcast %get3A_75 : f32 to vector<34x128xf32>
      %select_n3A_77 = arith.select %eq3A_67, %broadcast_in_dim3A_76, %select_n3A_64 : vector<34x128xi1>, vector<34x128xf32>
      %eq3A_78 = arith.constant 3 : i32
      %eq3A_79 = vector.broadcast %eq3A_78 : i32 to vector<34x128xi32>
      %eq3A_80 = arith.cmpi eq, %convert_element_type3A_24, %eq3A_79 : vector<34x128xi32>
      %get3A_81 = arith.constant 0 : index
      %get3A_82 = arith.constant 3 : index
      %get3A_83 = memref.load %arg4[%get3A_81, %get3A_82] : memref<1x5xf32, #tpu.memory_space<smem>>
      %broadcast_in_dim3A_84 = vector.broadcast %get3A_83 : f32 to vector<34x128xf32>
      %select_n3A_85 = arith.select %eq3A_80, %broadcast_in_dim3A_84, %select_n3A_72 : vector<34x128xi1>, vector<34x128xf32>
      %get3A_86 = arith.constant 0 : index
      %get3A_87 = arith.constant 3 : index
      %get3A_88 = memref.load %arg5[%get3A_86, %get3A_87] : memref<1x5xf32, #tpu.memory_space<smem>>
      %broadcast_in_dim3A_89 = vector.broadcast %get3A_88 : f32 to vector<34x128xf32>
      %select_n3A_90 = arith.select %eq3A_80, %broadcast_in_dim3A_89, %select_n3A_77 : vector<34x128xi1>, vector<34x128xf32>
      %eq3A_91 = arith.constant 4 : i32
      %eq3A_92 = vector.broadcast %eq3A_91 : i32 to vector<34x128xi32>
      %eq3A_93 = arith.cmpi eq, %convert_element_type3A_24, %eq3A_92 : vector<34x128xi32>
      %get3A_94 = arith.constant 0 : index
      %get3A_95 = arith.constant 4 : index
      %get3A_96 = memref.load %arg4[%get3A_94, %get3A_95] : memref<1x5xf32, #tpu.memory_space<smem>>
      %broadcast_in_dim3A_97 = vector.broadcast %get3A_96 : f32 to vector<34x128xf32>
      %select_n3A_98 = arith.select %eq3A_93, %broadcast_in_dim3A_97, %select_n3A_85 : vector<34x128xi1>, vector<34x128xf32>
      %get3A_99 = arith.constant 0 : index
      %get3A_100 = arith.constant 4 : index
      %get3A_101 = memref.load %arg5[%get3A_99, %get3A_100] : memref<1x5xf32, #tpu.memory_space<smem>>
      %broadcast_in_dim3A_102 = vector.broadcast %get3A_101 : f32 to vector<34x128xf32>
      %select_n3A_103 = arith.select %eq3A_93, %broadcast_in_dim3A_102, %select_n3A_90 : vector<34x128xi1>, vector<34x128xf32>
      %mul3A_104 = arith.mulf %add3A, %select_n3A_98 : vector<34x128xf32>
      %mul3A_105 = arith.mulf %convert_element_type3A_28, %select_n3A_103 : vector<34x128xf32>
      %add3A_106 = arith.addf %mul3A_104, %mul3A_105 : vector<34x128xf32>
      %round3A = math.roundeven %get3A_13 : vector<34x128xf32>
      %convert_element_type3A_107 = arith.fptosi %round3A : vector<34x128xf32> to vector<34x128xi32>
      %round3A_108 = math.roundeven %get3A_18 : vector<34x128xf32>
      %convert_element_type3A_109 = arith.fptosi %round3A_108 : vector<34x128xf32> to vector<34x128xi32>
      %mul3A_110 = arith.constant 512 : i32
      %mul3A_111 = vector.broadcast %mul3A_110 : i32 to vector<34x128xi32>
      %mul3A_112 = arith.muli %convert_element_type3A_109, %mul3A_111 : vector<34x128xi32>
      %add3A_113 = arith.addi %mul3A_112, %convert_element_type3A_107 : vector<34x128xi32>
      %iota3A = tpu.iota {dimensions = array<i32: 1>} : vector<34x128xi32>
      %slice3A = vector.extract_strided_slice %add3A_113 {offsets = [0, 0], sizes = [1, 128], strides = [1, 1]} : vector<34x128xi32> to vector<1x128xi32>
      %eq3A_114 = vector.broadcast %slice3A : vector<1x128xi32> to vector<34x128xi32>
      %eq3A_115 = arith.cmpi eq, %add3A_113, %eq3A_114 : vector<34x128xi32>
      %slice3A_116 = vector.extract_strided_slice %add3A_106 {offsets = [0, 0], sizes = [1, 128], strides = [1, 1]} : vector<34x128xf32> to vector<1x128xf32>
      %broadcast_in_dim3A_117 = vector.shape_cast %slice3A_116 : vector<1x128xf32> to vector<1x128xf32>
      %broadcast_in_dim3A_118 = vector.broadcast %broadcast_in_dim3A_117 : vector<1x128xf32> to vector<34x128xf32>
      %select_n3A_119 = arith.select %eq3A_115, %broadcast_in_dim3A_118, %add3A_106 : vector<34x128xi1>, vector<34x128xf32>
      %slice3A_120 = vector.extract_strided_slice %get3A_8 {offsets = [0, 0], sizes = [1, 128], strides = [1, 1]} : vector<34x128xf32> to vector<1x128xf32>
      %broadcast_in_dim3A_121 = vector.shape_cast %slice3A_120 : vector<1x128xf32> to vector<1x128xf32>
      %broadcast_in_dim3A_122 = vector.broadcast %broadcast_in_dim3A_121 : vector<1x128xf32> to vector<34x128xf32>
      %select_n3A_123 = arith.select %eq3A_115, %broadcast_in_dim3A_122, %get3A_8 : vector<34x128xi1>, vector<34x128xf32>
      %slice3A_124 = vector.extract_strided_slice %add3A_113 {offsets = [1, 0], sizes = [1, 128], strides = [1, 1]} : vector<34x128xi32> to vector<1x128xi32>
      %eq3A_125 = vector.broadcast %slice3A_124 : vector<1x128xi32> to vector<34x128xi32>
      %eq3A_126 = arith.cmpi eq, %add3A_113, %eq3A_125 : vector<34x128xi32>
      %slice3A_127 = vector.extract_strided_slice %add3A_106 {offsets = [1, 0], sizes = [1, 128], strides = [1, 1]} : vector<34x128xf32> to vector<1x128xf32>
      %broadcast_in_dim3A_128 = vector.shape_cast %slice3A_127 : vector<1x128xf32> to vector<1x128xf32>
      %broadcast_in_dim3A_129 = vector.broadcast %broadcast_in_dim3A_128 : vector<1x128xf32> to vector<34x128xf32>
      %select_n3A_130 = arith.select %eq3A_126, %broadcast_in_dim3A_129, %select_n3A_119 : vector<34x128xi1>, vector<34x128xf32>
      %slice3A_131 = vector.extract_strided_slice %get3A_8 {offsets = [1, 0], sizes = [1, 128], strides = [1, 1]} : vector<34x128xf32> to vector<1x128xf32>
      %broadcast_in_dim3A_132 = vector.shape_cast %slice3A_131 : vector<1x128xf32> to vector<1x128xf32>
      %broadcast_in_dim3A_133 = vector.broadcast %broadcast_in_dim3A_132 : vector<1x128xf32> to vector<34x128xf32>
      %select_n3A_134 = arith.select %eq3A_126, %broadcast_in_dim3A_133, %select_n3A_123 : vector<34x128xi1>, vector<34x128xf32>
      %slice3A_135 = vector.extract_strided_slice %add3A_113 {offsets = [2, 0], sizes = [1, 128], strides = [1, 1]} : vector<34x128xi32> to vector<1x128xi32>
      %eq3A_136 = vector.broadcast %slice3A_135 : vector<1x128xi32> to vector<34x128xi32>
      %eq3A_137 = arith.cmpi eq, %add3A_113, %eq3A_136 : vector<34x128xi32>
      %slice3A_138 = vector.extract_strided_slice %add3A_106 {offsets = [2, 0], sizes = [1, 128], strides = [1, 1]} : vector<34x128xf32> to vector<1x128xf32>
      %broadcast_in_dim3A_139 = vector.shape_cast %slice3A_138 : vector<1x128xf32> to vector<1x128xf32>
      %broadcast_in_dim3A_140 = vector.broadcast %broadcast_in_dim3A_139 : vector<1x128xf32> to vector<34x128xf32>
      %select_n3A_141 = arith.select %eq3A_137, %broadcast_in_dim3A_140, %select_n3A_130 : vector<34x128xi1>, vector<34x128xf32>
      %slice3A_142 = vector.extract_strided_slice %get3A_8 {offsets = [2, 0], sizes = [1, 128], strides = [1, 1]} : vector<34x128xf32> to vector<1x128xf32>
      %broadcast_in_dim3A_143 = vector.shape_cast %slice3A_142 : vector<1x128xf32> to vector<1x128xf32>
      %broadcast_in_dim3A_144 = vector.broadcast %broadcast_in_dim3A_143 : vector<1x128xf32> to vector<34x128xf32>
      %select_n3A_145 = arith.select %eq3A_137, %broadcast_in_dim3A_144, %select_n3A_134 : vector<34x128xi1>, vector<34x128xf32>
      %slice3A_146 = vector.extract_strided_slice %add3A_113 {offsets = [3, 0], sizes = [1, 128], strides = [1, 1]} : vector<34x128xi32> to vector<1x128xi32>
      %eq3A_147 = vector.broadcast %slice3A_146 : vector<1x128xi32> to vector<34x128xi32>
      %eq3A_148 = arith.cmpi eq, %add3A_113, %eq3A_147 : vector<34x128xi32>
      %slice3A_149 = vector.extract_strided_slice %add3A_106 {offsets = [3, 0], sizes = [1, 128], strides = [1, 1]} : vector<34x128xf32> to vector<1x128xf32>
      %broadcast_in_dim3A_150 = vector.shape_cast %slice3A_149 : vector<1x128xf32> to vector<1x128xf32>
      %broadcast_in_dim3A_151 = vector.broadcast %broadcast_in_dim3A_150 : vector<1x128xf32> to vector<34x128xf32>
      %select_n3A_152 = arith.select %eq3A_148, %broadcast_in_dim3A_151, %select_n3A_141 : vector<34x128xi1>, vector<34x128xf32>
      %slice3A_153 = vector.extract_strided_slice %get3A_8 {offsets = [3, 0], sizes = [1, 128], strides = [1, 1]} : vector<34x128xf32> to vector<1x128xf32>
      %broadcast_in_dim3A_154 = vector.shape_cast %slice3A_153 : vector<1x128xf32> to vector<1x128xf32>
      %broadcast_in_dim3A_155 = vector.broadcast %broadcast_in_dim3A_154 : vector<1x128xf32> to vector<34x128xf32>
      %select_n3A_156 = arith.select %eq3A_148, %broadcast_in_dim3A_155, %select_n3A_145 : vector<34x128xi1>, vector<34x128xf32>
      %slice3A_157 = vector.extract_strided_slice %add3A_113 {offsets = [4, 0], sizes = [1, 128], strides = [1, 1]} : vector<34x128xi32> to vector<1x128xi32>
      %eq3A_158 = vector.broadcast %slice3A_157 : vector<1x128xi32> to vector<34x128xi32>
      %eq3A_159 = arith.cmpi eq, %add3A_113, %eq3A_158 : vector<34x128xi32>
      %slice3A_160 = vector.extract_strided_slice %add3A_106 {offsets = [4, 0], sizes = [1, 128], strides = [1, 1]} : vector<34x128xf32> to vector<1x128xf32>
      %broadcast_in_dim3A_161 = vector.shape_cast %slice3A_160 : vector<1x128xf32> to vector<1x128xf32>
      %broadcast_in_dim3A_162 = vector.broadcast %broadcast_in_dim3A_161 : vector<1x128xf32> to vector<34x128xf32>
      %select_n3A_163 = arith.select %eq3A_159, %broadcast_in_dim3A_162, %select_n3A_152 : vector<34x128xi1>, vector<34x128xf32>
      %slice3A_164 = vector.extract_strided_slice %get3A_8 {offsets = [4, 0], sizes = [1, 128], strides = [1, 1]} : vector<34x128xf32> to vector<1x128xf32>
      %broadcast_in_dim3A_165 = vector.shape_cast %slice3A_164 : vector<1x128xf32> to vector<1x128xf32>
      %broadcast_in_dim3A_166 = vector.broadcast %broadcast_in_dim3A_165 : vector<1x128xf32> to vector<34x128xf32>
      %select_n3A_167 = arith.select %eq3A_159, %broadcast_in_dim3A_166, %select_n3A_156 : vector<34x128xi1>, vector<34x128xf32>
      %slice3A_168 = vector.extract_strided_slice %add3A_113 {offsets = [5, 0], sizes = [1, 128], strides = [1, 1]} : vector<34x128xi32> to vector<1x128xi32>
      %eq3A_169 = vector.broadcast %slice3A_168 : vector<1x128xi32> to vector<34x128xi32>
      %eq3A_170 = arith.cmpi eq, %add3A_113, %eq3A_169 : vector<34x128xi32>
      %slice3A_171 = vector.extract_strided_slice %add3A_106 {offsets = [5, 0], sizes = [1, 128], strides = [1, 1]} : vector<34x128xf32> to vector<1x128xf32>
      %broadcast_in_dim3A_172 = vector.shape_cast %slice3A_171 : vector<1x128xf32> to vector<1x128xf32>
      %broadcast_in_dim3A_173 = vector.broadcast %broadcast_in_dim3A_172 : vector<1x128xf32> to vector<34x128xf32>
      %select_n3A_174 = arith.select %eq3A_170, %broadcast_in_dim3A_173, %select_n3A_163 : vector<34x128xi1>, vector<34x128xf32>
      %slice3A_175 = vector.extract_strided_slice %get3A_8 {offsets = [5, 0], sizes = [1, 128], strides = [1, 1]} : vector<34x128xf32> to vector<1x128xf32>
      %broadcast_in_dim3A_176 = vector.shape_cast %slice3A_175 : vector<1x128xf32> to vector<1x128xf32>
      %broadcast_in_dim3A_177 = vector.broadcast %broadcast_in_dim3A_176 : vector<1x128xf32> to vector<34x128xf32>
      %select_n3A_178 = arith.select %eq3A_170, %broadcast_in_dim3A_177, %select_n3A_167 : vector<34x128xi1>, vector<34x128xf32>
      %slice3A_179 = vector.extract_strided_slice %add3A_113 {offsets = [6, 0], sizes = [1, 128], strides = [1, 1]} : vector<34x128xi32> to vector<1x128xi32>
      %eq3A_180 = vector.broadcast %slice3A_179 : vector<1x128xi32> to vector<34x128xi32>
      %eq3A_181 = arith.cmpi eq, %add3A_113, %eq3A_180 : vector<34x128xi32>
      %slice3A_182 = vector.extract_strided_slice %add3A_106 {offsets = [6, 0], sizes = [1, 128], strides = [1, 1]} : vector<34x128xf32> to vector<1x128xf32>
      %broadcast_in_dim3A_183 = vector.shape_cast %slice3A_182 : vector<1x128xf32> to vector<1x128xf32>
      %broadcast_in_dim3A_184 = vector.broadcast %broadcast_in_dim3A_183 : vector<1x128xf32> to vector<34x128xf32>
      %select_n3A_185 = arith.select %eq3A_181, %broadcast_in_dim3A_184, %select_n3A_174 : vector<34x128xi1>, vector<34x128xf32>
      %slice3A_186 = vector.extract_strided_slice %get3A_8 {offsets = [6, 0], sizes = [1, 128], strides = [1, 1]} : vector<34x128xf32> to vector<1x128xf32>
      %broadcast_in_dim3A_187 = vector.shape_cast %slice3A_186 : vector<1x128xf32> to vector<1x128xf32>
      %broadcast_in_dim3A_188 = vector.broadcast %broadcast_in_dim3A_187 : vector<1x128xf32> to vector<34x128xf32>
      %select_n3A_189 = arith.select %eq3A_181, %broadcast_in_dim3A_188, %select_n3A_178 : vector<34x128xi1>, vector<34x128xf32>
      %slice3A_190 = vector.extract_strided_slice %add3A_113 {offsets = [7, 0], sizes = [1, 128], strides = [1, 1]} : vector<34x128xi32> to vector<1x128xi32>
      %eq3A_191 = vector.broadcast %slice3A_190 : vector<1x128xi32> to vector<34x128xi32>
      %eq3A_192 = arith.cmpi eq, %add3A_113, %eq3A_191 : vector<34x128xi32>
      %slice3A_193 = vector.extract_strided_slice %add3A_106 {offsets = [7, 0], sizes = [1, 128], strides = [1, 1]} : vector<34x128xf32> to vector<1x128xf32>
      %broadcast_in_dim3A_194 = vector.shape_cast %slice3A_193 : vector<1x128xf32> to vector<1x128xf32>
      %broadcast_in_dim3A_195 = vector.broadcast %broadcast_in_dim3A_194 : vector<1x128xf32> to vector<34x128xf32>
      %select_n3A_196 = arith.select %eq3A_192, %broadcast_in_dim3A_195, %select_n3A_185 : vector<34x128xi1>, vector<34x128xf32>
      %slice3A_197 = vector.extract_strided_slice %get3A_8 {offsets = [7, 0], sizes = [1, 128], strides = [1, 1]} : vector<34x128xf32> to vector<1x128xf32>
      %broadcast_in_dim3A_198 = vector.shape_cast %slice3A_197 : vector<1x128xf32> to vector<1x128xf32>
      %broadcast_in_dim3A_199 = vector.broadcast %broadcast_in_dim3A_198 : vector<1x128xf32> to vector<34x128xf32>
      %select_n3A_200 = arith.select %eq3A_192, %broadcast_in_dim3A_199, %select_n3A_189 : vector<34x128xi1>, vector<34x128xf32>
      %slice3A_201 = vector.extract_strided_slice %add3A_113 {offsets = [8, 0], sizes = [1, 128], strides = [1, 1]} : vector<34x128xi32> to vector<1x128xi32>
      %eq3A_202 = vector.broadcast %slice3A_201 : vector<1x128xi32> to vector<34x128xi32>
      %eq3A_203 = arith.cmpi eq, %add3A_113, %eq3A_202 : vector<34x128xi32>
      %slice3A_204 = vector.extract_strided_slice %add3A_106 {offsets = [8, 0], sizes = [1, 128], strides = [1, 1]} : vector<34x128xf32> to vector<1x128xf32>
      %broadcast_in_dim3A_205 = vector.shape_cast %slice3A_204 : vector<1x128xf32> to vector<1x128xf32>
      %broadcast_in_dim3A_206 = vector.broadcast %broadcast_in_dim3A_205 : vector<1x128xf32> to vector<34x128xf32>
      %select_n3A_207 = arith.select %eq3A_203, %broadcast_in_dim3A_206, %select_n3A_196 : vector<34x128xi1>, vector<34x128xf32>
      %slice3A_208 = vector.extract_strided_slice %get3A_8 {offsets = [8, 0], sizes = [1, 128], strides = [1, 1]} : vector<34x128xf32> to vector<1x128xf32>
      %broadcast_in_dim3A_209 = vector.shape_cast %slice3A_208 : vector<1x128xf32> to vector<1x128xf32>
      %broadcast_in_dim3A_210 = vector.broadcast %broadcast_in_dim3A_209 : vector<1x128xf32> to vector<34x128xf32>
      %select_n3A_211 = arith.select %eq3A_203, %broadcast_in_dim3A_210, %select_n3A_200 : vector<34x128xi1>, vector<34x128xf32>
      %slice3A_212 = vector.extract_strided_slice %add3A_113 {offsets = [9, 0], sizes = [1, 128], strides = [1, 1]} : vector<34x128xi32> to vector<1x128xi32>
      %eq3A_213 = vector.broadcast %slice3A_212 : vector<1x128xi32> to vector<34x128xi32>
      %eq3A_214 = arith.cmpi eq, %add3A_113, %eq3A_213 : vector<34x128xi32>
      %slice3A_215 = vector.extract_strided_slice %add3A_106 {offsets = [9, 0], sizes = [1, 128], strides = [1, 1]} : vector<34x128xf32> to vector<1x128xf32>
      %broadcast_in_dim3A_216 = vector.shape_cast %slice3A_215 : vector<1x128xf32> to vector<1x128xf32>
      %broadcast_in_dim3A_217 = vector.broadcast %broadcast_in_dim3A_216 : vector<1x128xf32> to vector<34x128xf32>
      %select_n3A_218 = arith.select %eq3A_214, %broadcast_in_dim3A_217, %select_n3A_207 : vector<34x128xi1>, vector<34x128xf32>
      %slice3A_219 = vector.extract_strided_slice %get3A_8 {offsets = [9, 0], sizes = [1, 128], strides = [1, 1]} : vector<34x128xf32> to vector<1x128xf32>
      %broadcast_in_dim3A_220 = vector.shape_cast %slice3A_219 : vector<1x128xf32> to vector<1x128xf32>
      %broadcast_in_dim3A_221 = vector.broadcast %broadcast_in_dim3A_220 : vector<1x128xf32> to vector<34x128xf32>
      %select_n3A_222 = arith.select %eq3A_214, %broadcast_in_dim3A_221, %select_n3A_211 : vector<34x128xi1>, vector<34x128xf32>
      %slice3A_223 = vector.extract_strided_slice %add3A_113 {offsets = [10, 0], sizes = [1, 128], strides = [1, 1]} : vector<34x128xi32> to vector<1x128xi32>
      %eq3A_224 = vector.broadcast %slice3A_223 : vector<1x128xi32> to vector<34x128xi32>
      %eq3A_225 = arith.cmpi eq, %add3A_113, %eq3A_224 : vector<34x128xi32>
      %slice3A_226 = vector.extract_strided_slice %add3A_106 {offsets = [10, 0], sizes = [1, 128], strides = [1, 1]} : vector<34x128xf32> to vector<1x128xf32>
      %broadcast_in_dim3A_227 = vector.shape_cast %slice3A_226 : vector<1x128xf32> to vector<1x128xf32>
      %broadcast_in_dim3A_228 = vector.broadcast %broadcast_in_dim3A_227 : vector<1x128xf32> to vector<34x128xf32>
      %select_n3A_229 = arith.select %eq3A_225, %broadcast_in_dim3A_228, %select_n3A_218 : vector<34x128xi1>, vector<34x128xf32>
      %slice3A_230 = vector.extract_strided_slice %get3A_8 {offsets = [10, 0], sizes = [1, 128], strides = [1, 1]} : vector<34x128xf32> to vector<1x128xf32>
      %broadcast_in_dim3A_231 = vector.shape_cast %slice3A_230 : vector<1x128xf32> to vector<1x128xf32>
      %broadcast_in_dim3A_232 = vector.broadcast %broadcast_in_dim3A_231 : vector<1x128xf32> to vector<34x128xf32>
      %select_n3A_233 = arith.select %eq3A_225, %broadcast_in_dim3A_232, %select_n3A_222 : vector<34x128xi1>, vector<34x128xf32>
      %slice3A_234 = vector.extract_strided_slice %add3A_113 {offsets = [11, 0], sizes = [1, 128], strides = [1, 1]} : vector<34x128xi32> to vector<1x128xi32>
      %eq3A_235 = vector.broadcast %slice3A_234 : vector<1x128xi32> to vector<34x128xi32>
      %eq3A_236 = arith.cmpi eq, %add3A_113, %eq3A_235 : vector<34x128xi32>
      %slice3A_237 = vector.extract_strided_slice %add3A_106 {offsets = [11, 0], sizes = [1, 128], strides = [1, 1]} : vector<34x128xf32> to vector<1x128xf32>
      %broadcast_in_dim3A_238 = vector.shape_cast %slice3A_237 : vector<1x128xf32> to vector<1x128xf32>
      %broadcast_in_dim3A_239 = vector.broadcast %broadcast_in_dim3A_238 : vector<1x128xf32> to vector<34x128xf32>
      %select_n3A_240 = arith.select %eq3A_236, %broadcast_in_dim3A_239, %select_n3A_229 : vector<34x128xi1>, vector<34x128xf32>
      %slice3A_241 = vector.extract_strided_slice %get3A_8 {offsets = [11, 0], sizes = [1, 128], strides = [1, 1]} : vector<34x128xf32> to vector<1x128xf32>
      %broadcast_in_dim3A_242 = vector.shape_cast %slice3A_241 : vector<1x128xf32> to vector<1x128xf32>
      %broadcast_in_dim3A_243 = vector.broadcast %broadcast_in_dim3A_242 : vector<1x128xf32> to vector<34x128xf32>
      %select_n3A_244 = arith.select %eq3A_236, %broadcast_in_dim3A_243, %select_n3A_233 : vector<34x128xi1>, vector<34x128xf32>
      %slice3A_245 = vector.extract_strided_slice %add3A_113 {offsets = [12, 0], sizes = [1, 128], strides = [1, 1]} : vector<34x128xi32> to vector<1x128xi32>
      %eq3A_246 = vector.broadcast %slice3A_245 : vector<1x128xi32> to vector<34x128xi32>
      %eq3A_247 = arith.cmpi eq, %add3A_113, %eq3A_246 : vector<34x128xi32>
      %slice3A_248 = vector.extract_strided_slice %add3A_106 {offsets = [12, 0], sizes = [1, 128], strides = [1, 1]} : vector<34x128xf32> to vector<1x128xf32>
      %broadcast_in_dim3A_249 = vector.shape_cast %slice3A_248 : vector<1x128xf32> to vector<1x128xf32>
      %broadcast_in_dim3A_250 = vector.broadcast %broadcast_in_dim3A_249 : vector<1x128xf32> to vector<34x128xf32>
      %select_n3A_251 = arith.select %eq3A_247, %broadcast_in_dim3A_250, %select_n3A_240 : vector<34x128xi1>, vector<34x128xf32>
      %slice3A_252 = vector.extract_strided_slice %get3A_8 {offsets = [12, 0], sizes = [1, 128], strides = [1, 1]} : vector<34x128xf32> to vector<1x128xf32>
      %broadcast_in_dim3A_253 = vector.shape_cast %slice3A_252 : vector<1x128xf32> to vector<1x128xf32>
      %broadcast_in_dim3A_254 = vector.broadcast %broadcast_in_dim3A_253 : vector<1x128xf32> to vector<34x128xf32>
      %select_n3A_255 = arith.select %eq3A_247, %broadcast_in_dim3A_254, %select_n3A_244 : vector<34x128xi1>, vector<34x128xf32>
      %slice3A_256 = vector.extract_strided_slice %add3A_113 {offsets = [13, 0], sizes = [1, 128], strides = [1, 1]} : vector<34x128xi32> to vector<1x128xi32>
      %eq3A_257 = vector.broadcast %slice3A_256 : vector<1x128xi32> to vector<34x128xi32>
      %eq3A_258 = arith.cmpi eq, %add3A_113, %eq3A_257 : vector<34x128xi32>
      %slice3A_259 = vector.extract_strided_slice %add3A_106 {offsets = [13, 0], sizes = [1, 128], strides = [1, 1]} : vector<34x128xf32> to vector<1x128xf32>
      %broadcast_in_dim3A_260 = vector.shape_cast %slice3A_259 : vector<1x128xf32> to vector<1x128xf32>
      %broadcast_in_dim3A_261 = vector.broadcast %broadcast_in_dim3A_260 : vector<1x128xf32> to vector<34x128xf32>
      %select_n3A_262 = arith.select %eq3A_258, %broadcast_in_dim3A_261, %select_n3A_251 : vector<34x128xi1>, vector<34x128xf32>
      %slice3A_263 = vector.extract_strided_slice %get3A_8 {offsets = [13, 0], sizes = [1, 128], strides = [1, 1]} : vector<34x128xf32> to vector<1x128xf32>
      %broadcast_in_dim3A_264 = vector.shape_cast %slice3A_263 : vector<1x128xf32> to vector<1x128xf32>
      %broadcast_in_dim3A_265 = vector.broadcast %broadcast_in_dim3A_264 : vector<1x128xf32> to vector<34x128xf32>
      %select_n3A_266 = arith.select %eq3A_258, %broadcast_in_dim3A_265, %select_n3A_255 : vector<34x128xi1>, vector<34x128xf32>
      %slice3A_267 = vector.extract_strided_slice %add3A_113 {offsets = [14, 0], sizes = [1, 128], strides = [1, 1]} : vector<34x128xi32> to vector<1x128xi32>
      %eq3A_268 = vector.broadcast %slice3A_267 : vector<1x128xi32> to vector<34x128xi32>
      %eq3A_269 = arith.cmpi eq, %add3A_113, %eq3A_268 : vector<34x128xi32>
      %slice3A_270 = vector.extract_strided_slice %add3A_106 {offsets = [14, 0], sizes = [1, 128], strides = [1, 1]} : vector<34x128xf32> to vector<1x128xf32>
      %broadcast_in_dim3A_271 = vector.shape_cast %slice3A_270 : vector<1x128xf32> to vector<1x128xf32>
      %broadcast_in_dim3A_272 = vector.broadcast %broadcast_in_dim3A_271 : vector<1x128xf32> to vector<34x128xf32>
      %select_n3A_273 = arith.select %eq3A_269, %broadcast_in_dim3A_272, %select_n3A_262 : vector<34x128xi1>, vector<34x128xf32>
      %slice3A_274 = vector.extract_strided_slice %get3A_8 {offsets = [14, 0], sizes = [1, 128], strides = [1, 1]} : vector<34x128xf32> to vector<1x128xf32>
      %broadcast_in_dim3A_275 = vector.shape_cast %slice3A_274 : vector<1x128xf32> to vector<1x128xf32>
      %broadcast_in_dim3A_276 = vector.broadcast %broadcast_in_dim3A_275 : vector<1x128xf32> to vector<34x128xf32>
      %select_n3A_277 = arith.select %eq3A_269, %broadcast_in_dim3A_276, %select_n3A_266 : vector<34x128xi1>, vector<34x128xf32>
      %slice3A_278 = vector.extract_strided_slice %add3A_113 {offsets = [15, 0], sizes = [1, 128], strides = [1, 1]} : vector<34x128xi32> to vector<1x128xi32>
      %eq3A_279 = vector.broadcast %slice3A_278 : vector<1x128xi32> to vector<34x128xi32>
      %eq3A_280 = arith.cmpi eq, %add3A_113, %eq3A_279 : vector<34x128xi32>
      %slice3A_281 = vector.extract_strided_slice %add3A_106 {offsets = [15, 0], sizes = [1, 128], strides = [1, 1]} : vector<34x128xf32> to vector<1x128xf32>
      %broadcast_in_dim3A_282 = vector.shape_cast %slice3A_281 : vector<1x128xf32> to vector<1x128xf32>
      %broadcast_in_dim3A_283 = vector.broadcast %broadcast_in_dim3A_282 : vector<1x128xf32> to vector<34x128xf32>
      %select_n3A_284 = arith.select %eq3A_280, %broadcast_in_dim3A_283, %select_n3A_273 : vector<34x128xi1>, vector<34x128xf32>
      %slice3A_285 = vector.extract_strided_slice %get3A_8 {offsets = [15, 0], sizes = [1, 128], strides = [1, 1]} : vector<34x128xf32> to vector<1x128xf32>
      %broadcast_in_dim3A_286 = vector.shape_cast %slice3A_285 : vector<1x128xf32> to vector<1x128xf32>
      %broadcast_in_dim3A_287 = vector.broadcast %broadcast_in_dim3A_286 : vector<1x128xf32> to vector<34x128xf32>
      %select_n3A_288 = arith.select %eq3A_280, %broadcast_in_dim3A_287, %select_n3A_277 : vector<34x128xi1>, vector<34x128xf32>
      %slice3A_289 = vector.extract_strided_slice %add3A_113 {offsets = [16, 0], sizes = [1, 128], strides = [1, 1]} : vector<34x128xi32> to vector<1x128xi32>
      %eq3A_290 = vector.broadcast %slice3A_289 : vector<1x128xi32> to vector<34x128xi32>
      %eq3A_291 = arith.cmpi eq, %add3A_113, %eq3A_290 : vector<34x128xi32>
      %slice3A_292 = vector.extract_strided_slice %add3A_106 {offsets = [16, 0], sizes = [1, 128], strides = [1, 1]} : vector<34x128xf32> to vector<1x128xf32>
      %broadcast_in_dim3A_293 = vector.shape_cast %slice3A_292 : vector<1x128xf32> to vector<1x128xf32>
      %broadcast_in_dim3A_294 = vector.broadcast %broadcast_in_dim3A_293 : vector<1x128xf32> to vector<34x128xf32>
      %select_n3A_295 = arith.select %eq3A_291, %broadcast_in_dim3A_294, %select_n3A_284 : vector<34x128xi1>, vector<34x128xf32>
      %slice3A_296 = vector.extract_strided_slice %get3A_8 {offsets = [16, 0], sizes = [1, 128], strides = [1, 1]} : vector<34x128xf32> to vector<1x128xf32>
      %broadcast_in_dim3A_297 = vector.shape_cast %slice3A_296 : vector<1x128xf32> to vector<1x128xf32>
      %broadcast_in_dim3A_298 = vector.broadcast %broadcast_in_dim3A_297 : vector<1x128xf32> to vector<34x128xf32>
      %select_n3A_299 = arith.select %eq3A_291, %broadcast_in_dim3A_298, %select_n3A_288 : vector<34x128xi1>, vector<34x128xf32>
      %slice3A_300 = vector.extract_strided_slice %add3A_113 {offsets = [17, 0], sizes = [1, 128], strides = [1, 1]} : vector<34x128xi32> to vector<1x128xi32>
      %eq3A_301 = vector.broadcast %slice3A_300 : vector<1x128xi32> to vector<34x128xi32>
      %eq3A_302 = arith.cmpi eq, %add3A_113, %eq3A_301 : vector<34x128xi32>
      %slice3A_303 = vector.extract_strided_slice %add3A_106 {offsets = [17, 0], sizes = [1, 128], strides = [1, 1]} : vector<34x128xf32> to vector<1x128xf32>
      %broadcast_in_dim3A_304 = vector.shape_cast %slice3A_303 : vector<1x128xf32> to vector<1x128xf32>
      %broadcast_in_dim3A_305 = vector.broadcast %broadcast_in_dim3A_304 : vector<1x128xf32> to vector<34x128xf32>
      %select_n3A_306 = arith.select %eq3A_302, %broadcast_in_dim3A_305, %select_n3A_295 : vector<34x128xi1>, vector<34x128xf32>
      %slice3A_307 = vector.extract_strided_slice %get3A_8 {offsets = [17, 0], sizes = [1, 128], strides = [1, 1]} : vector<34x128xf32> to vector<1x128xf32>
      %broadcast_in_dim3A_308 = vector.shape_cast %slice3A_307 : vector<1x128xf32> to vector<1x128xf32>
      %broadcast_in_dim3A_309 = vector.broadcast %broadcast_in_dim3A_308 : vector<1x128xf32> to vector<34x128xf32>
      %select_n3A_310 = arith.select %eq3A_302, %broadcast_in_dim3A_309, %select_n3A_299 : vector<34x128xi1>, vector<34x128xf32>
      %slice3A_311 = vector.extract_strided_slice %add3A_113 {offsets = [18, 0], sizes = [1, 128], strides = [1, 1]} : vector<34x128xi32> to vector<1x128xi32>
      %eq3A_312 = vector.broadcast %slice3A_311 : vector<1x128xi32> to vector<34x128xi32>
      %eq3A_313 = arith.cmpi eq, %add3A_113, %eq3A_312 : vector<34x128xi32>
      %slice3A_314 = vector.extract_strided_slice %add3A_106 {offsets = [18, 0], sizes = [1, 128], strides = [1, 1]} : vector<34x128xf32> to vector<1x128xf32>
      %broadcast_in_dim3A_315 = vector.shape_cast %slice3A_314 : vector<1x128xf32> to vector<1x128xf32>
      %broadcast_in_dim3A_316 = vector.broadcast %broadcast_in_dim3A_315 : vector<1x128xf32> to vector<34x128xf32>
      %select_n3A_317 = arith.select %eq3A_313, %broadcast_in_dim3A_316, %select_n3A_306 : vector<34x128xi1>, vector<34x128xf32>
      %slice3A_318 = vector.extract_strided_slice %get3A_8 {offsets = [18, 0], sizes = [1, 128], strides = [1, 1]} : vector<34x128xf32> to vector<1x128xf32>
      %broadcast_in_dim3A_319 = vector.shape_cast %slice3A_318 : vector<1x128xf32> to vector<1x128xf32>
      %broadcast_in_dim3A_320 = vector.broadcast %broadcast_in_dim3A_319 : vector<1x128xf32> to vector<34x128xf32>
      %select_n3A_321 = arith.select %eq3A_313, %broadcast_in_dim3A_320, %select_n3A_310 : vector<34x128xi1>, vector<34x128xf32>
      %slice3A_322 = vector.extract_strided_slice %add3A_113 {offsets = [19, 0], sizes = [1, 128], strides = [1, 1]} : vector<34x128xi32> to vector<1x128xi32>
      %eq3A_323 = vector.broadcast %slice3A_322 : vector<1x128xi32> to vector<34x128xi32>
      %eq3A_324 = arith.cmpi eq, %add3A_113, %eq3A_323 : vector<34x128xi32>
      %slice3A_325 = vector.extract_strided_slice %add3A_106 {offsets = [19, 0], sizes = [1, 128], strides = [1, 1]} : vector<34x128xf32> to vector<1x128xf32>
      %broadcast_in_dim3A_326 = vector.shape_cast %slice3A_325 : vector<1x128xf32> to vector<1x128xf32>
      %broadcast_in_dim3A_327 = vector.broadcast %broadcast_in_dim3A_326 : vector<1x128xf32> to vector<34x128xf32>
      %select_n3A_328 = arith.select %eq3A_324, %broadcast_in_dim3A_327, %select_n3A_317 : vector<34x128xi1>, vector<34x128xf32>
      %slice3A_329 = vector.extract_strided_slice %get3A_8 {offsets = [19, 0], sizes = [1, 128], strides = [1, 1]} : vector<34x128xf32> to vector<1x128xf32>
      %broadcast_in_dim3A_330 = vector.shape_cast %slice3A_329 : vector<1x128xf32> to vector<1x128xf32>
      %broadcast_in_dim3A_331 = vector.broadcast %broadcast_in_dim3A_330 : vector<1x128xf32> to vector<34x128xf32>
      %select_n3A_332 = arith.select %eq3A_324, %broadcast_in_dim3A_331, %select_n3A_321 : vector<34x128xi1>, vector<34x128xf32>
      %slice3A_333 = vector.extract_strided_slice %add3A_113 {offsets = [20, 0], sizes = [1, 128], strides = [1, 1]} : vector<34x128xi32> to vector<1x128xi32>
      %eq3A_334 = vector.broadcast %slice3A_333 : vector<1x128xi32> to vector<34x128xi32>
      %eq3A_335 = arith.cmpi eq, %add3A_113, %eq3A_334 : vector<34x128xi32>
      %slice3A_336 = vector.extract_strided_slice %add3A_106 {offsets = [20, 0], sizes = [1, 128], strides = [1, 1]} : vector<34x128xf32> to vector<1x128xf32>
      %broadcast_in_dim3A_337 = vector.shape_cast %slice3A_336 : vector<1x128xf32> to vector<1x128xf32>
      %broadcast_in_dim3A_338 = vector.broadcast %broadcast_in_dim3A_337 : vector<1x128xf32> to vector<34x128xf32>
      %select_n3A_339 = arith.select %eq3A_335, %broadcast_in_dim3A_338, %select_n3A_328 : vector<34x128xi1>, vector<34x128xf32>
      %slice3A_340 = vector.extract_strided_slice %get3A_8 {offsets = [20, 0], sizes = [1, 128], strides = [1, 1]} : vector<34x128xf32> to vector<1x128xf32>
      %broadcast_in_dim3A_341 = vector.shape_cast %slice3A_340 : vector<1x128xf32> to vector<1x128xf32>
      %broadcast_in_dim3A_342 = vector.broadcast %broadcast_in_dim3A_341 : vector<1x128xf32> to vector<34x128xf32>
      %select_n3A_343 = arith.select %eq3A_335, %broadcast_in_dim3A_342, %select_n3A_332 : vector<34x128xi1>, vector<34x128xf32>
      %slice3A_344 = vector.extract_strided_slice %add3A_113 {offsets = [21, 0], sizes = [1, 128], strides = [1, 1]} : vector<34x128xi32> to vector<1x128xi32>
      %eq3A_345 = vector.broadcast %slice3A_344 : vector<1x128xi32> to vector<34x128xi32>
      %eq3A_346 = arith.cmpi eq, %add3A_113, %eq3A_345 : vector<34x128xi32>
      %slice3A_347 = vector.extract_strided_slice %add3A_106 {offsets = [21, 0], sizes = [1, 128], strides = [1, 1]} : vector<34x128xf32> to vector<1x128xf32>
      %broadcast_in_dim3A_348 = vector.shape_cast %slice3A_347 : vector<1x128xf32> to vector<1x128xf32>
      %broadcast_in_dim3A_349 = vector.broadcast %broadcast_in_dim3A_348 : vector<1x128xf32> to vector<34x128xf32>
      %select_n3A_350 = arith.select %eq3A_346, %broadcast_in_dim3A_349, %select_n3A_339 : vector<34x128xi1>, vector<34x128xf32>
      %slice3A_351 = vector.extract_strided_slice %get3A_8 {offsets = [21, 0], sizes = [1, 128], strides = [1, 1]} : vector<34x128xf32> to vector<1x128xf32>
      %broadcast_in_dim3A_352 = vector.shape_cast %slice3A_351 : vector<1x128xf32> to vector<1x128xf32>
      %broadcast_in_dim3A_353 = vector.broadcast %broadcast_in_dim3A_352 : vector<1x128xf32> to vector<34x128xf32>
      %select_n3A_354 = arith.select %eq3A_346, %broadcast_in_dim3A_353, %select_n3A_343 : vector<34x128xi1>, vector<34x128xf32>
      %slice3A_355 = vector.extract_strided_slice %add3A_113 {offsets = [22, 0], sizes = [1, 128], strides = [1, 1]} : vector<34x128xi32> to vector<1x128xi32>
      %eq3A_356 = vector.broadcast %slice3A_355 : vector<1x128xi32> to vector<34x128xi32>
      %eq3A_357 = arith.cmpi eq, %add3A_113, %eq3A_356 : vector<34x128xi32>
      %slice3A_358 = vector.extract_strided_slice %add3A_106 {offsets = [22, 0], sizes = [1, 128], strides = [1, 1]} : vector<34x128xf32> to vector<1x128xf32>
      %broadcast_in_dim3A_359 = vector.shape_cast %slice3A_358 : vector<1x128xf32> to vector<1x128xf32>
      %broadcast_in_dim3A_360 = vector.broadcast %broadcast_in_dim3A_359 : vector<1x128xf32> to vector<34x128xf32>
      %select_n3A_361 = arith.select %eq3A_357, %broadcast_in_dim3A_360, %select_n3A_350 : vector<34x128xi1>, vector<34x128xf32>
      %slice3A_362 = vector.extract_strided_slice %get3A_8 {offsets = [22, 0], sizes = [1, 128], strides = [1, 1]} : vector<34x128xf32> to vector<1x128xf32>
      %broadcast_in_dim3A_363 = vector.shape_cast %slice3A_362 : vector<1x128xf32> to vector<1x128xf32>
      %broadcast_in_dim3A_364 = vector.broadcast %broadcast_in_dim3A_363 : vector<1x128xf32> to vector<34x128xf32>
      %select_n3A_365 = arith.select %eq3A_357, %broadcast_in_dim3A_364, %select_n3A_354 : vector<34x128xi1>, vector<34x128xf32>
      %slice3A_366 = vector.extract_strided_slice %add3A_113 {offsets = [23, 0], sizes = [1, 128], strides = [1, 1]} : vector<34x128xi32> to vector<1x128xi32>
      %eq3A_367 = vector.broadcast %slice3A_366 : vector<1x128xi32> to vector<34x128xi32>
      %eq3A_368 = arith.cmpi eq, %add3A_113, %eq3A_367 : vector<34x128xi32>
      %slice3A_369 = vector.extract_strided_slice %add3A_106 {offsets = [23, 0], sizes = [1, 128], strides = [1, 1]} : vector<34x128xf32> to vector<1x128xf32>
      %broadcast_in_dim3A_370 = vector.shape_cast %slice3A_369 : vector<1x128xf32> to vector<1x128xf32>
      %broadcast_in_dim3A_371 = vector.broadcast %broadcast_in_dim3A_370 : vector<1x128xf32> to vector<34x128xf32>
      %select_n3A_372 = arith.select %eq3A_368, %broadcast_in_dim3A_371, %select_n3A_361 : vector<34x128xi1>, vector<34x128xf32>
      %slice3A_373 = vector.extract_strided_slice %get3A_8 {offsets = [23, 0], sizes = [1, 128], strides = [1, 1]} : vector<34x128xf32> to vector<1x128xf32>
      %broadcast_in_dim3A_374 = vector.shape_cast %slice3A_373 : vector<1x128xf32> to vector<1x128xf32>
      %broadcast_in_dim3A_375 = vector.broadcast %broadcast_in_dim3A_374 : vector<1x128xf32> to vector<34x128xf32>
      %select_n3A_376 = arith.select %eq3A_368, %broadcast_in_dim3A_375, %select_n3A_365 : vector<34x128xi1>, vector<34x128xf32>
      %slice3A_377 = vector.extract_strided_slice %add3A_113 {offsets = [24, 0], sizes = [1, 128], strides = [1, 1]} : vector<34x128xi32> to vector<1x128xi32>
      %eq3A_378 = vector.broadcast %slice3A_377 : vector<1x128xi32> to vector<34x128xi32>
      %eq3A_379 = arith.cmpi eq, %add3A_113, %eq3A_378 : vector<34x128xi32>
      %slice3A_380 = vector.extract_strided_slice %add3A_106 {offsets = [24, 0], sizes = [1, 128], strides = [1, 1]} : vector<34x128xf32> to vector<1x128xf32>
      %broadcast_in_dim3A_381 = vector.shape_cast %slice3A_380 : vector<1x128xf32> to vector<1x128xf32>
      %broadcast_in_dim3A_382 = vector.broadcast %broadcast_in_dim3A_381 : vector<1x128xf32> to vector<34x128xf32>
      %select_n3A_383 = arith.select %eq3A_379, %broadcast_in_dim3A_382, %select_n3A_372 : vector<34x128xi1>, vector<34x128xf32>
      %slice3A_384 = vector.extract_strided_slice %get3A_8 {offsets = [24, 0], sizes = [1, 128], strides = [1, 1]} : vector<34x128xf32> to vector<1x128xf32>
      %broadcast_in_dim3A_385 = vector.shape_cast %slice3A_384 : vector<1x128xf32> to vector<1x128xf32>
      %broadcast_in_dim3A_386 = vector.broadcast %broadcast_in_dim3A_385 : vector<1x128xf32> to vector<34x128xf32>
      %select_n3A_387 = arith.select %eq3A_379, %broadcast_in_dim3A_386, %select_n3A_376 : vector<34x128xi1>, vector<34x128xf32>
      %slice3A_388 = vector.extract_strided_slice %add3A_113 {offsets = [25, 0], sizes = [1, 128], strides = [1, 1]} : vector<34x128xi32> to vector<1x128xi32>
      %eq3A_389 = vector.broadcast %slice3A_388 : vector<1x128xi32> to vector<34x128xi32>
      %eq3A_390 = arith.cmpi eq, %add3A_113, %eq3A_389 : vector<34x128xi32>
      %slice3A_391 = vector.extract_strided_slice %add3A_106 {offsets = [25, 0], sizes = [1, 128], strides = [1, 1]} : vector<34x128xf32> to vector<1x128xf32>
      %broadcast_in_dim3A_392 = vector.shape_cast %slice3A_391 : vector<1x128xf32> to vector<1x128xf32>
      %broadcast_in_dim3A_393 = vector.broadcast %broadcast_in_dim3A_392 : vector<1x128xf32> to vector<34x128xf32>
      %select_n3A_394 = arith.select %eq3A_390, %broadcast_in_dim3A_393, %select_n3A_383 : vector<34x128xi1>, vector<34x128xf32>
      %slice3A_395 = vector.extract_strided_slice %get3A_8 {offsets = [25, 0], sizes = [1, 128], strides = [1, 1]} : vector<34x128xf32> to vector<1x128xf32>
      %broadcast_in_dim3A_396 = vector.shape_cast %slice3A_395 : vector<1x128xf32> to vector<1x128xf32>
      %broadcast_in_dim3A_397 = vector.broadcast %broadcast_in_dim3A_396 : vector<1x128xf32> to vector<34x128xf32>
      %select_n3A_398 = arith.select %eq3A_390, %broadcast_in_dim3A_397, %select_n3A_387 : vector<34x128xi1>, vector<34x128xf32>
      %slice3A_399 = vector.extract_strided_slice %add3A_113 {offsets = [26, 0], sizes = [1, 128], strides = [1, 1]} : vector<34x128xi32> to vector<1x128xi32>
      %eq3A_400 = vector.broadcast %slice3A_399 : vector<1x128xi32> to vector<34x128xi32>
      %eq3A_401 = arith.cmpi eq, %add3A_113, %eq3A_400 : vector<34x128xi32>
      %slice3A_402 = vector.extract_strided_slice %add3A_106 {offsets = [26, 0], sizes = [1, 128], strides = [1, 1]} : vector<34x128xf32> to vector<1x128xf32>
      %broadcast_in_dim3A_403 = vector.shape_cast %slice3A_402 : vector<1x128xf32> to vector<1x128xf32>
      %broadcast_in_dim3A_404 = vector.broadcast %broadcast_in_dim3A_403 : vector<1x128xf32> to vector<34x128xf32>
      %select_n3A_405 = arith.select %eq3A_401, %broadcast_in_dim3A_404, %select_n3A_394 : vector<34x128xi1>, vector<34x128xf32>
      %slice3A_406 = vector.extract_strided_slice %get3A_8 {offsets = [26, 0], sizes = [1, 128], strides = [1, 1]} : vector<34x128xf32> to vector<1x128xf32>
      %broadcast_in_dim3A_407 = vector.shape_cast %slice3A_406 : vector<1x128xf32> to vector<1x128xf32>
      %broadcast_in_dim3A_408 = vector.broadcast %broadcast_in_dim3A_407 : vector<1x128xf32> to vector<34x128xf32>
      %select_n3A_409 = arith.select %eq3A_401, %broadcast_in_dim3A_408, %select_n3A_398 : vector<34x128xi1>, vector<34x128xf32>
      %slice3A_410 = vector.extract_strided_slice %add3A_113 {offsets = [27, 0], sizes = [1, 128], strides = [1, 1]} : vector<34x128xi32> to vector<1x128xi32>
      %eq3A_411 = vector.broadcast %slice3A_410 : vector<1x128xi32> to vector<34x128xi32>
      %eq3A_412 = arith.cmpi eq, %add3A_113, %eq3A_411 : vector<34x128xi32>
      %slice3A_413 = vector.extract_strided_slice %add3A_106 {offsets = [27, 0], sizes = [1, 128], strides = [1, 1]} : vector<34x128xf32> to vector<1x128xf32>
      %broadcast_in_dim3A_414 = vector.shape_cast %slice3A_413 : vector<1x128xf32> to vector<1x128xf32>
      %broadcast_in_dim3A_415 = vector.broadcast %broadcast_in_dim3A_414 : vector<1x128xf32> to vector<34x128xf32>
      %select_n3A_416 = arith.select %eq3A_412, %broadcast_in_dim3A_415, %select_n3A_405 : vector<34x128xi1>, vector<34x128xf32>
      %slice3A_417 = vector.extract_strided_slice %get3A_8 {offsets = [27, 0], sizes = [1, 128], strides = [1, 1]} : vector<34x128xf32> to vector<1x128xf32>
      %broadcast_in_dim3A_418 = vector.shape_cast %slice3A_417 : vector<1x128xf32> to vector<1x128xf32>
      %broadcast_in_dim3A_419 = vector.broadcast %broadcast_in_dim3A_418 : vector<1x128xf32> to vector<34x128xf32>
      %select_n3A_420 = arith.select %eq3A_412, %broadcast_in_dim3A_419, %select_n3A_409 : vector<34x128xi1>, vector<34x128xf32>
      %slice3A_421 = vector.extract_strided_slice %add3A_113 {offsets = [28, 0], sizes = [1, 128], strides = [1, 1]} : vector<34x128xi32> to vector<1x128xi32>
      %eq3A_422 = vector.broadcast %slice3A_421 : vector<1x128xi32> to vector<34x128xi32>
      %eq3A_423 = arith.cmpi eq, %add3A_113, %eq3A_422 : vector<34x128xi32>
      %slice3A_424 = vector.extract_strided_slice %add3A_106 {offsets = [28, 0], sizes = [1, 128], strides = [1, 1]} : vector<34x128xf32> to vector<1x128xf32>
      %broadcast_in_dim3A_425 = vector.shape_cast %slice3A_424 : vector<1x128xf32> to vector<1x128xf32>
      %broadcast_in_dim3A_426 = vector.broadcast %broadcast_in_dim3A_425 : vector<1x128xf32> to vector<34x128xf32>
      %select_n3A_427 = arith.select %eq3A_423, %broadcast_in_dim3A_426, %select_n3A_416 : vector<34x128xi1>, vector<34x128xf32>
      %slice3A_428 = vector.extract_strided_slice %get3A_8 {offsets = [28, 0], sizes = [1, 128], strides = [1, 1]} : vector<34x128xf32> to vector<1x128xf32>
      %broadcast_in_dim3A_429 = vector.shape_cast %slice3A_428 : vector<1x128xf32> to vector<1x128xf32>
      %broadcast_in_dim3A_430 = vector.broadcast %broadcast_in_dim3A_429 : vector<1x128xf32> to vector<34x128xf32>
      %select_n3A_431 = arith.select %eq3A_423, %broadcast_in_dim3A_430, %select_n3A_420 : vector<34x128xi1>, vector<34x128xf32>
      %slice3A_432 = vector.extract_strided_slice %add3A_113 {offsets = [29, 0], sizes = [1, 128], strides = [1, 1]} : vector<34x128xi32> to vector<1x128xi32>
      %eq3A_433 = vector.broadcast %slice3A_432 : vector<1x128xi32> to vector<34x128xi32>
      %eq3A_434 = arith.cmpi eq, %add3A_113, %eq3A_433 : vector<34x128xi32>
      %slice3A_435 = vector.extract_strided_slice %add3A_106 {offsets = [29, 0], sizes = [1, 128], strides = [1, 1]} : vector<34x128xf32> to vector<1x128xf32>
      %broadcast_in_dim3A_436 = vector.shape_cast %slice3A_435 : vector<1x128xf32> to vector<1x128xf32>
      %broadcast_in_dim3A_437 = vector.broadcast %broadcast_in_dim3A_436 : vector<1x128xf32> to vector<34x128xf32>
      %select_n3A_438 = arith.select %eq3A_434, %broadcast_in_dim3A_437, %select_n3A_427 : vector<34x128xi1>, vector<34x128xf32>
      %slice3A_439 = vector.extract_strided_slice %get3A_8 {offsets = [29, 0], sizes = [1, 128], strides = [1, 1]} : vector<34x128xf32> to vector<1x128xf32>
      %broadcast_in_dim3A_440 = vector.shape_cast %slice3A_439 : vector<1x128xf32> to vector<1x128xf32>
      %broadcast_in_dim3A_441 = vector.broadcast %broadcast_in_dim3A_440 : vector<1x128xf32> to vector<34x128xf32>
      %select_n3A_442 = arith.select %eq3A_434, %broadcast_in_dim3A_441, %select_n3A_431 : vector<34x128xi1>, vector<34x128xf32>
      %slice3A_443 = vector.extract_strided_slice %add3A_113 {offsets = [30, 0], sizes = [1, 128], strides = [1, 1]} : vector<34x128xi32> to vector<1x128xi32>
      %eq3A_444 = vector.broadcast %slice3A_443 : vector<1x128xi32> to vector<34x128xi32>
      %eq3A_445 = arith.cmpi eq, %add3A_113, %eq3A_444 : vector<34x128xi32>
      %slice3A_446 = vector.extract_strided_slice %add3A_106 {offsets = [30, 0], sizes = [1, 128], strides = [1, 1]} : vector<34x128xf32> to vector<1x128xf32>
      %broadcast_in_dim3A_447 = vector.shape_cast %slice3A_446 : vector<1x128xf32> to vector<1x128xf32>
      %broadcast_in_dim3A_448 = vector.broadcast %broadcast_in_dim3A_447 : vector<1x128xf32> to vector<34x128xf32>
      %select_n3A_449 = arith.select %eq3A_445, %broadcast_in_dim3A_448, %select_n3A_438 : vector<34x128xi1>, vector<34x128xf32>
      %slice3A_450 = vector.extract_strided_slice %get3A_8 {offsets = [30, 0], sizes = [1, 128], strides = [1, 1]} : vector<34x128xf32> to vector<1x128xf32>
      %broadcast_in_dim3A_451 = vector.shape_cast %slice3A_450 : vector<1x128xf32> to vector<1x128xf32>
      %broadcast_in_dim3A_452 = vector.broadcast %broadcast_in_dim3A_451 : vector<1x128xf32> to vector<34x128xf32>
      %select_n3A_453 = arith.select %eq3A_445, %broadcast_in_dim3A_452, %select_n3A_442 : vector<34x128xi1>, vector<34x128xf32>
      %slice3A_454 = vector.extract_strided_slice %add3A_113 {offsets = [31, 0], sizes = [1, 128], strides = [1, 1]} : vector<34x128xi32> to vector<1x128xi32>
      %eq3A_455 = vector.broadcast %slice3A_454 : vector<1x128xi32> to vector<34x128xi32>
      %eq3A_456 = arith.cmpi eq, %add3A_113, %eq3A_455 : vector<34x128xi32>
      %slice3A_457 = vector.extract_strided_slice %add3A_106 {offsets = [31, 0], sizes = [1, 128], strides = [1, 1]} : vector<34x128xf32> to vector<1x128xf32>
      %broadcast_in_dim3A_458 = vector.shape_cast %slice3A_457 : vector<1x128xf32> to vector<1x128xf32>
      %broadcast_in_dim3A_459 = vector.broadcast %broadcast_in_dim3A_458 : vector<1x128xf32> to vector<34x128xf32>
      %select_n3A_460 = arith.select %eq3A_456, %broadcast_in_dim3A_459, %select_n3A_449 : vector<34x128xi1>, vector<34x128xf32>
      %slice3A_461 = vector.extract_strided_slice %get3A_8 {offsets = [31, 0], sizes = [1, 128], strides = [1, 1]} : vector<34x128xf32> to vector<1x128xf32>
      %broadcast_in_dim3A_462 = vector.shape_cast %slice3A_461 : vector<1x128xf32> to vector<1x128xf32>
      %broadcast_in_dim3A_463 = vector.broadcast %broadcast_in_dim3A_462 : vector<1x128xf32> to vector<34x128xf32>
      %select_n3A_464 = arith.select %eq3A_456, %broadcast_in_dim3A_463, %select_n3A_453 : vector<34x128xi1>, vector<34x128xf32>
      %slice3A_465 = vector.extract_strided_slice %add3A_113 {offsets = [32, 0], sizes = [1, 128], strides = [1, 1]} : vector<34x128xi32> to vector<1x128xi32>
      %eq3A_466 = vector.broadcast %slice3A_465 : vector<1x128xi32> to vector<34x128xi32>
      %eq3A_467 = arith.cmpi eq, %add3A_113, %eq3A_466 : vector<34x128xi32>
      %slice3A_468 = vector.extract_strided_slice %add3A_106 {offsets = [32, 0], sizes = [1, 128], strides = [1, 1]} : vector<34x128xf32> to vector<1x128xf32>
      %broadcast_in_dim3A_469 = vector.shape_cast %slice3A_468 : vector<1x128xf32> to vector<1x128xf32>
      %broadcast_in_dim3A_470 = vector.broadcast %broadcast_in_dim3A_469 : vector<1x128xf32> to vector<34x128xf32>
      %select_n3A_471 = arith.select %eq3A_467, %broadcast_in_dim3A_470, %select_n3A_460 : vector<34x128xi1>, vector<34x128xf32>
      %slice3A_472 = vector.extract_strided_slice %get3A_8 {offsets = [32, 0], sizes = [1, 128], strides = [1, 1]} : vector<34x128xf32> to vector<1x128xf32>
      %broadcast_in_dim3A_473 = vector.shape_cast %slice3A_472 : vector<1x128xf32> to vector<1x128xf32>
      %broadcast_in_dim3A_474 = vector.broadcast %broadcast_in_dim3A_473 : vector<1x128xf32> to vector<34x128xf32>
      %select_n3A_475 = arith.select %eq3A_467, %broadcast_in_dim3A_474, %select_n3A_464 : vector<34x128xi1>, vector<34x128xf32>
      %slice3A_476 = vector.extract_strided_slice %add3A_113 {offsets = [33, 0], sizes = [1, 128], strides = [1, 1]} : vector<34x128xi32> to vector<1x128xi32>
      %eq3A_477 = vector.broadcast %slice3A_476 : vector<1x128xi32> to vector<34x128xi32>
      %eq3A_478 = arith.cmpi eq, %add3A_113, %eq3A_477 : vector<34x128xi32>
      %slice3A_479 = vector.extract_strided_slice %add3A_106 {offsets = [33, 0], sizes = [1, 128], strides = [1, 1]} : vector<34x128xf32> to vector<1x128xf32>
      %broadcast_in_dim3A_480 = vector.shape_cast %slice3A_479 : vector<1x128xf32> to vector<1x128xf32>
      %broadcast_in_dim3A_481 = vector.broadcast %broadcast_in_dim3A_480 : vector<1x128xf32> to vector<34x128xf32>
      %select_n3A_482 = arith.select %eq3A_478, %broadcast_in_dim3A_481, %select_n3A_471 : vector<34x128xi1>, vector<34x128xf32>
      %slice3A_483 = vector.extract_strided_slice %get3A_8 {offsets = [33, 0], sizes = [1, 128], strides = [1, 1]} : vector<34x128xf32> to vector<1x128xf32>
      %broadcast_in_dim3A_484 = vector.shape_cast %slice3A_483 : vector<1x128xf32> to vector<1x128xf32>
      %broadcast_in_dim3A_485 = vector.broadcast %broadcast_in_dim3A_484 : vector<1x128xf32> to vector<34x128xf32>
      %select_n3A_486 = arith.select %eq3A_478, %broadcast_in_dim3A_485, %select_n3A_475 : vector<34x128xi1>, vector<34x128xf32>
      %swap3A_487 = arith.constant 0 : index
      %swap3A_488 = arith.constant 0 : index
      %swap3A_489 = arith.constant 0 : index
      %swap3A_490 = vector.load %arg7[%swap3A_487, %swap3A_488, %swap3A_489] : memref<2x34x128xf32, #tpu.memory_space<vmem>>, vector<1x34x128xf32>
      %swap3A_491 = vector.shape_cast %swap3A_490 : vector<1x34x128xf32> to vector<34x128xf32>
      %swap3A_492 = vector.shape_cast %select_n3A_482 : vector<34x128xf32> to vector<1x34x128xf32>
      tpu.vector_store %arg7[%swap3A_487, %swap3A_488, %swap3A_489], %swap3A_492 {strides = array<i32>} : memref<2x34x128xf32, #tpu.memory_space<vmem>>, vector<1x34x128xf32>,
      %swap3A_493 = arith.constant 1 : index
      %swap3A_494 = arith.constant 0 : index
      %swap3A_495 = arith.constant 0 : index
      %swap3A_496 = vector.load %arg7[%swap3A_493, %swap3A_494, %swap3A_495] : memref<2x34x128xf32, #tpu.memory_space<vmem>>, vector<1x34x128xf32>
      %swap3A_497 = vector.shape_cast %swap3A_496 : vector<1x34x128xf32> to vector<34x128xf32>
      %swap3A_498 = vector.shape_cast %select_n3A_486 : vector<34x128xf32> to vector<1x34x128xf32>
      tpu.vector_store %arg7[%swap3A_493, %swap3A_494, %swap3A_495], %swap3A_498 {strides = array<i32>} : memref<2x34x128xf32, #tpu.memory_space<vmem>>, vector<1x34x128xf32>,
      %mul3A_499 = arith.constant 524288 : i32
      %mul3A_500 = vector.broadcast %mul3A_499 : i32 to vector<34x128xi32>
      %mul3A_501 = arith.muli %iota3A, %mul3A_500 : vector<34x128xi32>
      %add3A_502 = arith.addi %mul3A_501, %add3A_113 : vector<34x128xi32>
      %swap3A_503 = arith.constant 0 : index
      %swap3A_504 = arith.constant 0 : index
      %swap3A_505 = arith.constant 0 : index
      %swap3A_506 = vector.load %arg8[%swap3A_503, %swap3A_504, %swap3A_505] : memref<2x34x128xi32, #tpu.memory_space<vmem>>, vector<1x34x128xi32>
      %swap3A_507 = vector.shape_cast %swap3A_506 : vector<1x34x128xi32> to vector<34x128xi32>
      %swap3A_508 = vector.shape_cast %add3A_502 : vector<34x128xi32> to vector<1x34x128xi32>
      tpu.vector_store %arg8[%swap3A_503, %swap3A_504, %swap3A_505], %swap3A_508 {strides = array<i32>} : memref<2x34x128xi32, #tpu.memory_space<vmem>>, vector<1x34x128xi32>,
      %mul3A_509 = arith.constant 524288 : i32
      %mul3A_510 = vector.broadcast %mul3A_509 : i32 to vector<34x128xi32>
      %mul3A_511 = arith.muli %iota3A, %mul3A_510 : vector<34x128xi32>
      %add3A_512 = arith.constant 262144 : i32
      %add3A_513 = vector.broadcast %add3A_512 : i32 to vector<34x128xi32>
      %add3A_514 = arith.addi %mul3A_511, %add3A_513 : vector<34x128xi32>
      %add3A_515 = arith.addi %add3A_514, %add3A_113 : vector<34x128xi32>
      %swap3A_516 = arith.constant 1 : index
      %swap3A_517 = arith.constant 0 : index
      %swap3A_518 = arith.constant 0 : index
      %swap3A_519 = vector.load %arg8[%swap3A_516, %swap3A_517, %swap3A_518] : memref<2x34x128xi32, #tpu.memory_space<vmem>>, vector<1x34x128xi32>
      %swap3A_520 = vector.shape_cast %swap3A_519 : vector<1x34x128xi32> to vector<34x128xi32>
      %swap3A_521 = vector.shape_cast %add3A_515 : vector<34x128xi32> to vector<1x34x128xi32>
      tpu.vector_store %arg8[%swap3A_516, %swap3A_517, %swap3A_518], %swap3A_521 {strides = array<i32>} : memref<2x34x128xi32, #tpu.memory_space<vmem>>, vector<1x34x128xi32>,
    } else {
    }
    return
  }
  func.func @transform_0(%arg0: i32) -> (i32, i32, i32) {
    %c0_i32 = arith.constant 0 : i32
    %c0_i32_0 = arith.constant 0 : i32
    %c0_i32_1 = arith.constant 0 : i32
    %c0_i32_2 = arith.constant 0 : i32
    return %c0_i32, %c0_i32_0, %c0_i32_1 : i32, i32, i32
  }
  func.func @transform_1(%arg0: i32) -> (i32, i32) {
    %c0_i32 = arith.constant 0 : i32
    %c0_i32_0 = arith.constant 0 : i32
    %c0_i32_1 = arith.constant 0 : i32
    return %c0_i32, %c0_i32_0 : i32, i32
  }
  func.func @transform_2(%arg0: i32) -> (i32, i32) {
    %c0_i32 = arith.constant 0 : i32
    %c0_i32_0 = arith.constant 0 : i32
    %c0_i32_1 = arith.constant 0 : i32
    return %c0_i32, %c0_i32_0 : i32, i32
  }
  func.func @transform_3(%arg0: i32) -> (i32, i32) {
    %c0_i32 = arith.constant 0 : i32
    %c0_i32_0 = arith.constant 0 : i32
    %c0_i32_1 = arith.constant 0 : i32
    return %c0_i32, %c0_i32_0 : i32, i32
  }
  func.func @transform_4(%arg0: i32) -> (i32, i32) {
    %c0_i32 = arith.constant 0 : i32
    %c0_i32_0 = arith.constant 0 : i32
    %c0_i32_1 = arith.constant 0 : i32
    return %c0_i32, %c0_i32_0 : i32, i32
  }
  func.func @transform_5(%arg0: i32) -> (i32, i32) {
    %c0_i32 = arith.constant 0 : i32
    %c0_i32_0 = arith.constant 0 : i32
    return %arg0, %c0_i32 : i32, i32
  }
  func.func @transform_6(%arg0: i32) -> (i32, i32, i32) {
    %c0_i32 = arith.constant 0 : i32
    %c0_i32_0 = arith.constant 0 : i32
    %c0_i32_1 = arith.constant 0 : i32
    %c0_i32_2 = arith.constant 0 : i32
    return %c0_i32, %c0_i32_0, %c0_i32_1 : i32, i32, i32
  }
  func.func @transform_7(%arg0: i32) -> (i32, i32, i32) {
    %c0_i32 = arith.constant 0 : i32
    %c0_i32_0 = arith.constant 0 : i32
    %c0_i32_1 = arith.constant 0 : i32
    %c0_i32_2 = arith.constant 0 : i32
    return %c0_i32, %c0_i32_0, %c0_i32_1 : i32, i32, i32
  }
}

</mosaic_0001>

<sc_bundles>
// kernel: kernel.4.cloned.1.call-start
scs
__scs_entry_jumppad:
0x0: {  	(pc) =	sbr.rel $0x88, $3  }
0x1: {  	(tag) =	ssettag $0x0;
	lr =	simm.s32 $0x1  }
0x2: {  	[smem:$0x3F9C] =	sst lr;
	_ =	strace $0xD0000000  }
0x3: {  	_ = 	snop  }
0x4: {  	_ = 	snop  }
0x5: {  	_ = 	snop  }
0x6: {  	_ = 	snop  }
0x7: {  	_ = 	snop  }
__scs_overlays_trampoline_lowered:
0x8: {  	[smem:$0x3FAB] =	sst s0  }
0x9: {  	[smem:$0x3FAC] =	sst s1  }
0xa: {  	[smem:$0x3FAD] =	sst s2  }
0xb: {  	[smem:$0x3FAE] =	sst s3  }
0xc: {  	[smem:$0x3FAF] =	sst s4  }
0xd: {  	[smem:$0x3FB0] =	sst s5  }
0xe: {  	[smem:$0x3FB1] =	sst s6  }
0xf: {  	[smem:$0x3FB2] =	sst s7  }
0x10: {  	[smem:$0x3FB3] =	sst s8  }
0x11: {  	[smem:$0x3FB4] =	sst s9;
	s0 =	simm.s32 @!p0 $0x0  }
0x12: {  	s1 =	sld [smem:$0x3F9A];
	s0 =	simm.s32 @p0 $0x1  }
0x13: {  	[smem:$0x3FB5] =	sst s0;
	s0 =	simm.s32 @!p1 $0x0  }
0x14: {  	s2 =	sld [smem:$0x3F99];
	s0 =	simm.s32 @p1 $0x1  }
0x15: {  	[smem:$0x3FB6] =	sst s0;
	s0 =	simm.s32 @!p2 $0x0  }
0x16: {  	s3 =	sld [smem:$0x3FDB];
	s0 =	simm.s32 @p2 $0x1  }
0x17: {  	s4 =	simm.s32 $0x1BF5;
	[smem:$0x3FB8] =	sst s0  }
0x18: {  	s0 =	sld [smem:$0x3F9B];
	_ =	swait.ge [sflag:s4], $0x0  }
0x19: {  	s7 =	sld [smem:$0x3F9C]  }
0x1a: {  	s8 =	sadd.s32 $0xFFFFE003, lr  }
0x1b: {  	s9 =	sadd.s32 $0xFFFFFEF7, lr;
	s5 =	simm.s32 $0xFFFFFFFF;
	p2 =	slt.u32 s8, $0xFFFFF086  }
0x1c: {  	p1 =	slt.u32 s9, $0xF7A;
	s5 =	simm.s32 @!p2 $0x0  }
0x1d: {  	s5 =	simm.s32 @p1 $0x1;
	p0 =	seq.s32 s7, s2  }
0x1e: {  	s7 =	smul.u32 @!p0 $0xF7A, s2;
	p2 =	seq.s32 @!p0 s5, $0x0  }
0x1f: {  	s9 =	smul.u32 $0xF7A, s1;
	s8 =	simm.s32 @!p0 $0x1BF5;
	p2 =	por !p2, p0  }
0x20: {  	[sflag:s8] =	ssyncset.s32 @!p0 $0xFFFFF086;
	s6 =	sadd.s32 @!p0 s3, s7;
	s7 =	simm.s32 @!p0 $0x108  }
0x21: {  	s3 =	sadd.s32 s3, s9;
	s6 =	sadd.s32 @!p0 $0x88, s6;
	s7 =	simm.s32 @p2 $0x1082  }
0x22: {  	[simem:s7], [sflag:s8] =	dma.local @!p0 [hbm:s6], $0xF7A  }
0x23: {  	s9 =	sor.u32 $0xD0000000, s2;
	s6 =	simm.s32 $0x108;
	_ =	swait.ge @!p0 [sflag:s8], $0x0  }
0x24: {  	s3 =	sadd.s32 $0x88, s3;
	s6 =	simm.s32 @!p1 $0x1082;
	[sflag:s4] =	ssyncset.s32 $0xFFFFF086  }
0x25: {  	[simem:s6], [sflag:s4] =	dma.local [hbm:s3], $0xF7A  }
0x26: {  	[smem:$0x3F9C] =	sst s1;
	(tag) =	ssettag s2;
	_ =	strace s9  }
0x27: {  	s1 =	sld [smem:$0x3FAC]  }
0x28: {  	s2 =	sld [smem:$0x3FAD]  }
0x29: {  	s4 =	sld [smem:$0x3FAF]  }
0x2a: {  	p0 =	seq.s32 s5, $0x0;
	s5 =	sld [smem:$0x3FB0]  }
0x2b: {  	s6 =	sld [smem:$0x3FB1]  }
0x2c: {  	s7 =	sld [smem:$0x3FB2]  }
0x2d: {  	s3 =	simm.s32 $0x108;
	s8 =	sld [smem:$0x3FB3]  }
0x2e: {  	s3 =	simm.s32 @!p0 $0x1082;
	s9 =	sld [smem:$0x3FB4]  }
0x2f: {  	lr =	sadd.s32 s0, s3;
	s0 =	sld [smem:$0x3FAB]  }
0x30: {  	s3 =	sld [smem:$0x3FAE]  }
0x31: {  	[smem:$0x3FB7] =	sst s10  }
0x32: {  	s10 =	sld [smem:$0x3FB5];
	_ =	sdelay $0x3  }
0x33: {  	p0 =	seq.s32 s10, $0x1;
	s10 =	sld [smem:$0x3FB7];
	_ =	sdelay $0x3  }
0x34: {  	[smem:$0x3FB7] =	sst s10  }
0x35: {  	s10 =	sld [smem:$0x3FB6];
	_ =	sdelay $0x3  }
0x36: {  	p1 =	seq.s32 s10, $0x1;
	s10 =	sld [smem:$0x3FB7];
	_ =	sdelay $0x3  }
0x37: {  	[smem:$0x3FB7] =	sst s10  }
0x38: {  	s10 =	sld [smem:$0x3FB8]  }
0x39: {  	_ = 	snop;
	(pc) =	sbr.ind lr, $3  }
0x3a: {  	_ = 	snop  }
0x3b: {  	_ = 	snop  }
0x3c: {  	p2 =	seq.s32 s10, $0x1;
	s10 =	sld [smem:$0x3FB7]  }
0x3d: {  	_ =	shalt  }
0x3e: {  	_ =	shalt  }
0x3f: {  	_ =	shalt  }
0x40: {  	_ =	shalt  }
0x41: {  	_ =	shalt  }
0x42: {  	_ =	shalt  }
0x43: {  	_ =	shalt  }
0x44: {  	_ =	shalt  }
0x45: {  	_ =	shalt  }
0x46: {  	_ =	shalt  }
0x47: {  	_ =	shalt  }
0x48: {  	_ =	shalt  }
0x49: {  	_ =	shalt  }
0x4a: {  	_ =	shalt  }
0x4b: {  	_ =	shalt  }
0x4c: {  	_ =	shalt  }
0x4d: {  	_ =	shalt  }
0x4e: {  	_ =	shalt  }
0x4f: {  	_ =	shalt  }
0x50: {  	_ =	shalt  }
0x51: {  	_ =	shalt  }
0x52: {  	_ =	shalt  }
0x53: {  	_ =	shalt  }
0x54: {  	_ =	shalt  }
0x55: {  	_ =	shalt  }
0x56: {  	_ =	shalt  }
0x57: {  	_ =	shalt  }
0x58: {  	_ =	shalt  }
0x59: {  	_ =	shalt  }
0x5a: {  	_ =	shalt  }
0x5b: {  	_ =	shalt  }
0x5c: {  	_ =	shalt  }
0x5d: {  	_ =	shalt  }
0x5e: {  	_ =	shalt  }
0x5f: {  	_ =	shalt  }
0x60: {  	_ =	shalt  }
0x61: {  	_ =	shalt  }
0x62: {  	_ =	shalt  }
0x63: {  	_ =	shalt  }
0x64: {  	_ =	shalt  }
0x65: {  	_ =	shalt  }
0x66: {  	_ =	shalt  }
0x67: {  	_ =	shalt  }
0x68: {  	_ =	shalt  }
0x69: {  	_ =	shalt  }
0x6a: {  	_ =	shalt  }
0x6b: {  	_ =	shalt  }
0x6c: {  	_ =	shalt  }
0x6d: {  	_ =	shalt  }
0x6e: {  	_ =	shalt  }
0x6f: {  	_ =	shalt  }
0x70: {  	_ =	shalt  }
0x71: {  	_ =	shalt  }
0x72: {  	_ =	shalt  }
0x73: {  	_ =	shalt  }
0x74: {  	_ =	shalt  }
0x75: {  	_ =	shalt  }
0x76: {  	_ =	shalt  }
0x77: {  	_ =	shalt  }
0x78: {  	_ =	shalt  }
0x79: {  	_ =	shalt  }
0x7a: {  	_ =	shalt  }
0x7b: {  	_ =	shalt  }
0x7c: {  	_ =	shalt  }
0x7d: {  	_ =	shalt  }
0x7e: {  	_ =	shalt  }
0x7f: {  	_ =	shalt  }
0x80: {  	_ =	shalt  }
0x81: {  	_ =	shalt  }
0x82: {  	_ =	shalt  }
0x83: {  	_ =	shalt  }
0x84: {  	_ =	shalt  }
0x85: {  	_ =	shalt  }
0x86: {  	_ =	shalt  }
0x87: {  	_ =	shalt  }
.Lfunc_end0:
.L_simem_size_0:
called_computation_lowered:
.L_overlay_start_0:
0x88: {  	s2 =	sld [smem:$0x3FD9]  }
0x89: {  	s3 =	sld [smem:$0x3FFE];
	_ =	sdelay $0x1  }
0x8a: {  	s1 =	srdreg.scid  }
0x8b: {  	s0 =	sand.u32 $0x1, s1  }
0x8c: {  	s17 =	sshll.u32 s0, $0xA;
	s2 =	sadd.s32 s3, s2  }
0x8d: {  	s2 =	sadd.s32 s2, s17  }
0x8e: {  	[smem:$0x3FC3] =	sst s2  }
0x8f: {  	_ = 	snop  }
0x90: {  	s2 =	sld [smem:$0x3FD0];
	(tm) =	ssettm $0x1  }
0x91: {  	s18 =	sld [smem:$0x3FFB];
	_ =	sdelay $0x3  }
0x92: {  	_ =	strace s18  }
0x93: {  	s3 =	sld [smem:$0x3FFC];
	_ =	sdelay $0x3  }
0x94: {  	_ =	strace s3  }
0x95: {  	s3 =	sld [smem:$0x3FFD];
	_ =	sdelay $0x3  }
0x96: {  	_ =	strace s3  }
0x97: {  	_ =	strace $0x8FFFFFFF  }
0x98: {  	s19 =	sld [smem:$0x3FDB];
	_ =	sdelay $0x1  }
0x99: {  	s4 =	simm.s32 $_scs_section_size  }
0x9a: {  	s5 =	simm.s32 $_size__tile_overlayer_lowered;
	s6 =	simm.s32 $_tile_overlayer_lowered  }
0x9b: {  	s22 =	simm.s32 $0x1BFF;
	s21 =	sshll.u32 s6, $0x1;
	s3 =	sadd.s32 s4, s19  }
0x9c: {  	s7 =	simm.s32 $0x0;
	s20 =	sshll.u32 s5, $0x1;
	s5 =	sadd.s32 s21, s3  }
0x9d: {  	[timem:s7], [sflag:s22] =	dma.local [hbm:s5], s20  }
0x9e: {  	_ =	swait.ge [sflag:s22], s20  }
0x9f: {  	s4 =	ssub.s32 $0x0, s20;
	[sflag:s22] =	ssyncset.done $0x0  }
0xa0: {  	[sflag:s22] =	ssyncadd.s32 s4;
	_ =	sdelay $0x1  }
0xa1: {  	s23 =	simm.s32 $0x1B8B  }
0xa2: {  	_ =	swait.ge [sflag:s23], $0x1  }
0xa3: {  	[sflag:s23] =	ssyncset.done $0x0  }
0xa4: {  	s25 =	simm.s32 $0x1B8E;
	s24 =	sld [smem:$0x3FFE];
	[sflag:s23] =	ssyncadd.s32 $0xFFFFFFFF  }
0xa5: {  	s26 =	simm.s32 $execute0_lowered;
	[smem:$0x3FD2] =	sst s25  }
0xa6: {  	s5 =	sshll.u32 s26, $0x1;
	_ =	strace $0x80000046;
	[dreg:$0x1] =	wrdreg $0xFFFFFFFF  }
0xa7: {  	s28 =	simm.s32 $_size_execute0_lowered;
	s3 =	sadd.s32 s3, s5;
	[dreg:$0x0] =	wrdreg $0x0  }
0xa8: {  	s5 =	sshll.u32 s28, $0x1;
	[dreg:$0x2] =	wrdreg s3  }
0xa9: {  	[dreg:$0x3] =	wrdreg s5  }
0xaa: {  	[dreg:$0x4] =	wrdreg $0xC0  }
0xab: {  	_ =	task [dreg:s7], $0x5FFFF  }
0xac: {  	[dreg:$0x1] =	wrdreg $0xFFFFFFFF  }
0xad: {  	[dreg:$0x0] =	wrdreg $0x60  }
0xae: {  	[dreg:$0x2] =	wrdreg s24  }
0xaf: {  	[dreg:$0x3] =	wrdreg s2  }
0xb0: {  	[dreg:$0x4] =	wrdreg $0x9  }
0xb1: {  	_ =	task.clear_ibuf [dreg:s7], $0x5FFFF;
	_ =	strace $0x90000046  }
0xb2: {  	s29 =	simm.s32 $0x9;
	_ =	strace $0x80000048  }
0xb3: {  	_ =	swait.ge [sflag:s29], $0x1  }
0xb4: {  	[sflag:s29] =	ssyncadd.s32 $0xFFFFFFFF  }
0xb5: {  	_ =	strace $0x90000048  }
0xb6: {  	_ =	sfence  }
0xb7: {  	s30 =	sld [smem:$0x0];
	_ =	sdelay $0x2  }
0xb8: {  	s31 =	sshll.u32 s1, $0xD;
	s1 =	sshrl.u32 s1, $0x2  }
0xb9: {  	s3 =	sand.u32 $0x4000, s31;
	s1 =	sadd.s32 s1, s30  }
0xba: {  	s0 =	sor.u32 s3, s0;
	s1 =	sshll.u32 s1, $0x11  }
0xbb: {  	s0 =	sor.u32 s1, s0  }
0xbc: {  	s0 =	sadd.s32 $0x8F2B, s0  }
0xbd: {  	[sflag:s0] =	ssyncadd.remote.s32 $0x1  }
0xbe: {  	_ =	sfence.sel $0xFFFF  }
0xbf: {  	[dreg:$0x0] =	wrdreg $0xFFFFFFFF;
	(pc) =	sbr.abs _section_cstart, $3  }
0xc0: {  	[dreg:$0x1] =	wrdreg $0xFFFFFFFF  }
0xc1: {  	_ =	task.clear_ibuf [dreg:s7], $0x2FFFF;
	_ =	strace $0x9FFFFFFF  }
0xc2: {  	(tm) =	ssettm $0x7FFFFFFF  }
0xc3: {  	_ =	shalt  }
tec
execute0_lowered:
.L_overlay_start_1:
0x0: {  	(tag) =	ssettag $0x1  }
0x1: {  	s7 =	rddreg [dreg:$0x0]  }
0x2: {  	s15 =	rddreg [dreg:$0x1]  }
0x3: {  	s0 =	rddreg [dreg:$0x2];
	s3 =	srdreg.scid  }
0x4: {  	s2 =	simm.s32 $0x0;
	s1 =	stileid.u32;
	s16 =	sand.u32 $0x1, s3  }
0x5: {  	s5 =	simm.s32 $0x2;
	s30 =	sshll.u32 s1, $0x5;
	s4 =	sshll.u32 s16, $0x4  }
0x6: {  	[smem:$0x7FF] =	sst s2;
	s11 =	sadd.s32 $0x800A00, s7;
	s12 =	sor.u32 s4, s30  }
0x7: {  	_ =	strace $0x80000047;
	s4 =	simm.s32 $0x80;
	s3 =	sadd.s32 s11, s12  }
0x8: {  	[tilespmem:s4], [sflag:$0x2] =	stream.linear.gather [hbm4b:s3+s2], $0x80, $0x38;
	[tilespmem:$0x100] =	vst v63  }
0x9: {  	_ =	swait.ge [sflag:s5], $0x80  }
0xa: {  	[sflag:s5] =	ssyncset.done $0x0  }
0xb: {  	s6 =	sadd.s32 s15, s12;
	[sflag:s5] =	ssyncadd.s32 $0xFFFFFF80  }
0xc: {  	[tilespmem:s2], [sflag:$0x2] =	stream.linear.gather [hbm4b:s6+s2], $0x80, $0x38;
	[tilespmem:$0x100] =	vst v63  }
0xd: {  	_ =	swait.ge [sflag:s5], $0x80  }
0xe: {  	[sflag:s5] =	ssyncset.done $0x0  }
0xf: {  	s8 =	simm.s32 $0x1;
	s7 =	sadd.s32 $0xA00, s7;
	[sflag:s5] =	ssyncadd.s32 $0xFFFFFF80  }
0x10: {  	[hbm4b:s7+s4] =	stream.indirect.scatter [tilespmem:s2], [sflag:$0x1], $0x1, s4, s4, $0xb8;
	[tilespmem:$0x100] =	vst v63  }
0x11: {  	_ =	swait.ge [sflag:s8], $0x80  }
0x12: {  	s10 =	sor.u32 $0x200, s12;
	[sflag:s8] =	ssyncset.done $0x0  }
0x13: {  	s9 =	sadd.s32 s11, s10;
	[sflag:s8] =	ssyncadd.s32 $0xFFFFFF80  }
0x14: {  	[tilespmem:s4], [sflag:$0x2] =	stream.linear.gather [hbm4b:s9+s2], $0x80, $0x38;
	[tilespmem:$0x100] =	vst v63  }
0x15: {  	_ =	swait.ge [sflag:s5], $0x80  }
0x16: {  	[sflag:s5] =	ssyncset.done $0x0  }
0x17: {  	s10 =	sadd.s32 s15, s10;
	[sflag:s5] =	ssyncadd.s32 $0xFFFFFF80  }
0x18: {  	[tilespmem:s2], [sflag:$0x2] =	stream.linear.gather [hbm4b:s10+s2], $0x80, $0x38;
	[tilespmem:$0x100] =	vst v63  }
0x19: {  	_ =	swait.ge [sflag:s5], $0x80  }
0x1a: {  	p0 =	sgt.u32 s1, $0x1;
	[sflag:s5] =	ssyncset.done $0x0  }
0x1b: {  	s13 =	simm.s32 @!p0 $0x0;
	[sflag:s5] =	ssyncadd.s32 $0xFFFFFF80  }
0x1c: {  	[hbm4b:s7+s4] =	stream.indirect.scatter [tilespmem:s2], [sflag:$0x1], $0x1, s4, s4, $0xb8;
	[tilespmem:$0x100] =	vst v63  }
0x1d: {  	s14 =	simm.s32 @!p0 $0x80;
	s16 =	ssub.s32 $0x2, s16;
	_ =	swait.ge [sflag:s8], $0x80  }
0x1e: {  	s31 =	sshrl.u32 s16, $0x1;
	s17 =	sor.u32 $0x400, s12;
	[sflag:s8] =	ssyncset.done $0x0  }
0x1f: {  	s12 =	simm.s32 @!p0 $0x2;
	s11 =	sadd.s32 s11, s17;
	[sflag:s8] =	ssyncadd.s32 $0xFFFFFF80  }
0x20: {  	[tilespmem:s14], [sflag:$0x2] =	stream.linear.gather @!p0 [hbm4b:s11+s13], $0x80, $0x38;
	[tilespmem:$0x100] =	vst v63  }
0x21: {  	s16 =	ssub.s32 s16, s31;
	_ =	swait.ge @!p0 [sflag:s12], $0x80  }
0x22: {  	s16 =	smax.u32 s16, $0x1;
	[sflag:s12] =	ssyncset.done @!p0 $0x0  }
0x23: {  	s15 =	sadd.s32 s15, s17;
	s17 =	sadd.s32 $0xFFFFFFFF, s16;
	[sflag:s12] =	ssyncadd.s32 @!p0 $0xFFFFFF80  }
0x24: {  	[tilespmem:s13], [sflag:$0x2] =	stream.linear.gather @!p0 [hbm4b:s15+s13], $0x80, $0x38;
	[tilespmem:$0x100] =	vst v63  }
0x25: {  	p1 =	sne.s32 s17, $0x0;
	_ =	swait.ge @!p0 [sflag:s12], $0x80  }
.Ltmp0:
0x26: {  	[sflag:s12] =	ssyncset.done @!p0 $0x0;
	(pc) =	sbr.rel @!p1 .LBB2_2-.Ltmp0, $4  }
0x27: {  	s16 =	simm.s32 @!p0 $0x1;
	[sflag:s12] =	ssyncadd.s32 @!p0 $0xFFFFFF80  }
0x28: {  	[hbm4b:s7+s14] =	stream.indirect.scatter @!p0 [tilespmem:s13], [sflag:$0x1], $0x1, s14, s14, $0xb8;
	[tilespmem:$0x100] =	vst v63  }
0x29: {  	_ =	swait.ge @!p0 [sflag:s16], $0x80  }
0x2a: {  	[sflag:s16] =	ssyncset.done @!p0 $0x0  }
.LBB2_1:
0x2b: {  	s17 =	sadd.s32 $0xFFFFFFFF, s17;
	[sflag:s16] =	ssyncadd.s32 @!p0 $0xFFFFFF80  }
0x2c: {  	[tilespmem:s4], [sflag:$0x2] =	stream.linear.gather [hbm4b:s3+s2], $0x80, $0x38;
	[tilespmem:$0x100] =	vst v63  }
0x2d: {  	p1 =	sne.s32 s17, $0x0;
	_ =	swait.ge [sflag:s5], $0x80  }
0x2e: {  	[sflag:s5] =	ssyncset.done $0x0  }
0x2f: {  	[sflag:s5] =	ssyncadd.s32 $0xFFFFFF80  }
0x30: {  	[tilespmem:s2], [sflag:$0x2] =	stream.linear.gather [hbm4b:s6+s2], $0x80, $0x38;
	[tilespmem:$0x100] =	vst v63  }
0x31: {  	_ =	swait.ge [sflag:s5], $0x80  }
0x32: {  	[sflag:s5] =	ssyncset.done $0x0  }
0x33: {  	[sflag:s5] =	ssyncadd.s32 $0xFFFFFF80  }
0x34: {  	[hbm4b:s7+s4] =	stream.indirect.scatter [tilespmem:s2], [sflag:$0x1], $0x1, s4, s4, $0xb8;
	[tilespmem:$0x100] =	vst v63  }
0x35: {  	_ =	swait.ge [sflag:s8], $0x80  }
0x36: {  	[sflag:s8] =	ssyncset.done $0x0  }
0x37: {  	[sflag:s8] =	ssyncadd.s32 $0xFFFFFF80  }
0x38: {  	[tilespmem:s4], [sflag:$0x2] =	stream.linear.gather [hbm4b:s9+s2], $0x80, $0x38;
	[tilespmem:$0x100] =	vst v63  }
0x39: {  	_ =	swait.ge [sflag:s5], $0x80  }
0x3a: {  	[sflag:s5] =	ssyncset.done $0x0  }
0x3b: {  	[sflag:s5] =	ssyncadd.s32 $0xFFFFFF80  }
0x3c: {  	[tilespmem:s2], [sflag:$0x2] =	stream.linear.gather [hbm4b:s10+s2], $0x80, $0x38;
	[tilespmem:$0x100] =	vst v63  }
0x3d: {  	_ =	swait.ge [sflag:s5], $0x80  }
0x3e: {  	[sflag:s5] =	ssyncset.done $0x0  }
0x3f: {  	[sflag:s5] =	ssyncadd.s32 $0xFFFFFF80  }
0x40: {  	[hbm4b:s7+s4] =	stream.indirect.scatter [tilespmem:s2], [sflag:$0x1], $0x1, s4, s4, $0xb8;
	[tilespmem:$0x100] =	vst v63  }
0x41: {  	_ =	swait.ge [sflag:s8], $0x80  }
0x42: {  	[sflag:s8] =	ssyncset.done $0x0  }
0x43: {  	[sflag:s8] =	ssyncadd.s32 $0xFFFFFF80  }
0x44: {  	[tilespmem:s14], [sflag:$0x2] =	stream.linear.gather @!p0 [hbm4b:s11+s13], $0x80, $0x38;
	[tilespmem:$0x100] =	vst v63  }
0x45: {  	_ =	swait.ge @!p0 [sflag:s12], $0x80  }
0x46: {  	[sflag:s12] =	ssyncset.done @!p0 $0x0  }
0x47: {  	[sflag:s12] =	ssyncadd.s32 @!p0 $0xFFFFFF80  }
0x48: {  	[tilespmem:s13], [sflag:$0x2] =	stream.linear.gather @!p0 [hbm4b:s15+s13], $0x80, $0x38;
	[tilespmem:$0x100] =	vst v63  }
0x49: {  	_ =	swait.ge @!p0 [sflag:s12], $0x80  }
.Ltmp1:
0x4a: {  	[sflag:s12] =	ssyncset.done @!p0 $0x0;
	(pc) =	sbr.rel @p1 .LBB2_1-.Ltmp1, $4  }
0x4b: {  	[sflag:s12] =	ssyncadd.s32 @!p0 $0xFFFFFF80  }
0x4c: {  	[hbm4b:s7+s14] =	stream.indirect.scatter @!p0 [tilespmem:s13], [sflag:$0x1], $0x1, s14, s14, $0xb8;
	[tilespmem:$0x100] =	vst v63  }
0x4d: {  	_ =	swait.ge @!p0 [sflag:s16], $0x80  }
0x4e: {  	[sflag:s16] =	ssyncset.done @!p0 $0x0  }
.LBB2_2:
0x4f: {  	[sflag:s16] =	ssyncadd.s32 @!p0 $0xFFFFFF80  }
0x50: {  	_ =	sfence.sel $0x180000  }
0x51: {  	[bflag:$0x0] =	sbarrier.arrive $0xFFFF  }
0x52: {  	p0 =	sne.s32 s1, $0x0;
	_ =	strace $0x90000047  }
0x53: {  	s0 =	sadd.s32 @!p0 $0x100000, s0;
	[bflag:$0x2] =	sbarrier.arrive $0xFFFF  }
0x54: {  	[sflag:s0] =	ssyncadd.tile.s32 @!p0 $0x1;
	_ =	shalt  }
.Lfunc_end2:
_tile_overlayer_lowered:
.L_overlay_start_2:
0x55: {  	(tag) =	ssettag $0x2  }
0x56: {  	s0 =	rddreg [dreg:$0x0];
	s2 =	stileid.u32  }
0x57: {  	s1 =	rddreg [dreg:$0x1];
	p0 =	sne.s32 s2, $0x0  }
0x58: {  	s3 =	rddreg [dreg:$0x2];
	[bflag:$0x3] =	sbarrier.arrive $0xFFFF;
	s2 =	simm.s32 @!p0 $0x1C02  }
0x59: {  	[timem:s3], [sflag:s2] =	dma.local @!p0 [hbm:s0], s1  }
0x5a: {  	s0 =	simm.s32 @!p0 $0x2  }
0x5b: {  	_ =	swait.ge @!p0 [sflag:s0], s1  }
0x5c: {  	s1 =	ssub.s32 @!p0 $0x0, s1;
	[sflag:s0] =	ssyncset.done @!p0 $0x0  }
0x5d: {  	[sflag:s0] =	ssyncadd.s32 @!p0 s1  }
0x5e: {  	[bflag:$0x3] =	sbarrier.arrive $0xFFFF  }
0x5f: {  	_ =	shalt  }

</sc_bundles>
